<compile_context>
chip_gen: v7x
topology: tpu7x:2x2x1
jax: 0.10.2.dev20260603
libtpu: 0.0.44.dev20260713+nightly
codegen_flags: <defaults>
</compile_context>

<pallas_src>
import dataclasses
import functools

import numpy as np

import jax
import jax.numpy as jnp
from jax import lax
from jax.experimental import pallas as pl
from jax.experimental.pallas import tpu as pltpu
from jax.experimental.pallas import tpu_sc as plsc

_DELTA = 0.5
_EPS = 1e-8
_B = 4
_H = 2048
_W = 2048
_HW = 128
_WW = 128
_NBIN = _HW * _WW
_P = 4000
_PPW = _P // 8
_WASTE = 128
_BSTRIDE = _NBIN + _WASTE
_SH_TOT = 2 * _BSTRIDE
_ZCHUNK = _SH_TOT // 16

_ROWS = 256

_PMAT = np.equal(np.arange(_W)[:, None] // 16,
                 np.arange(_WW)[None, :]).astype(np.float32)


def _hist_body(xs_hbm, ys_hbm, out_hbm, x_v, y_v, i0, i1, i2, i3,
               ones_v, z_v, acc_sh):
    c = lax.axis_index("c")
    s = lax.axis_index("s")
    b_local = s // 8
    w = s % 8
    batch = 2 * c + b_local

    @pl.loop(0, _ZCHUNK // 16)
    def _(i):
        z_v[pl.ds(i * 16, 16)] = jnp.zeros((16,), jnp.float32)

    pltpu.sync_copy(z_v, acc_sh.at[pl.ds(s * _ZCHUNK, _ZCHUNK)])

    @pl.loop(0, 8)
    def _(i):
        ones_v[pl.ds(i * 16, 16)] = jnp.ones((16,), jnp.float32)

    shift = (w % 2) * 4
    off = pl.multiple_of(batch * _P + w * _PPW - shift, 8)
    pltpu.sync_copy(xs_hbm.at[pl.ds(off, _PPW + 4)], x_v)
    pltpu.sync_copy(ys_hbm.at[pl.ds(off, _PPW + 4)], y_v)

    boff = b_local * _BSTRIDE
    lane = lax.iota(jnp.int32, 16)
    idx_refs = (i0, i1, i2, i3)
    for j in range(4):
        nvec = 8 if j < 3 else 7
        @pl.loop(0, nvec)
        def _(k, j=j):
            g = shift + j * 128 + k * 16 + lane
            xv = plsc.load_gather(x_v, [g])
            yv = plsc.load_gather(y_v, [g])
            binv = (yv >> 6) * _WW + (xv >> 6) + boff
            idx_refs[j][pl.ds(k * 16, 16)] = binv
    g = jnp.minimum(shift + 496 + lane, shift + _PPW - 1)
    xv = plsc.load_gather(x_v, [g])
    yv = plsc.load_gather(y_v, [g])
    binv = (yv >> 6) * _WW + (xv >> 6) + boff
    binv = jnp.where(lane < 4, binv, _NBIN + lane + boff)
    i3[pl.ds(112, 16)] = binv

    plsc.subcore_barrier()
    for j in range(4):
        pltpu.sync_copy(ones_v, acc_sh.at[idx_refs[j]], add=True)
    plsc.subcore_barrier()

    src_off = b_local * _BSTRIDE + w * 2048
    dst_off = batch * _NBIN + w * 2048
    pltpu.sync_copy(acc_sh.at[pl.ds(src_off, 2048)],
                    out_hbm.at[pl.ds(dst_off, 2048)])


@functools.cache
def _make_sc_hist():
    @functools.partial(
        pl.kernel,
        out_type=jax.ShapeDtypeStruct((_B * _NBIN,), jnp.float32),
        mesh=plsc.VectorSubcoreMesh(core_axis_name="c", subcore_axis_name="s"),
        scratch_types=[
            pltpu.VMEM((_PPW + 4,), jnp.int32),
            pltpu.VMEM((_PPW + 4,), jnp.int32),
            pltpu.VMEM((128,), jnp.int32),
            pltpu.VMEM((128,), jnp.int32),
            pltpu.VMEM((128,), jnp.int32),
            pltpu.VMEM((128,), jnp.int32),
            pltpu.VMEM((128,), jnp.float32),
            pltpu.VMEM((_ZCHUNK,), jnp.float32),
            pltpu.VMEM_SHARED((_SH_TOT,), jnp.float32),
        ],
        compiler_params=dataclasses.replace(
            pltpu.CompilerParams(), needs_layout_passes=False),
    )
    def _sc_hist(xs_hbm, ys_hbm, out_hbm, *scratch):
        _hist_body(xs_hbm, ys_hbm, out_hbm, *scratch)

    return _sc_hist


def _pool_body(pmat_ref, dr_ref, dt_ref, rr_ref, rt_ref,
               odr_ref, odt_ref, orr_ref, ort_ref):
    pmat = pmat_ref[...]
    for x_ref, o_ref in ((dr_ref, odr_ref), (dt_ref, odt_ref),
                         (rr_ref, orr_ref), (rt_ref, ort_ref)):
        x = x_ref[...].reshape(_ROWS // 16, 16, _W)
        y = jnp.sum(x, axis=1)
        o = jnp.dot(y, pmat, preferred_element_type=jnp.float32)
        o_ref[...] = o.reshape(1, _ROWS // 16, _WW)


_pool = pl.pallas_call(
    _pool_body,
    grid=(_B, _H // _ROWS),
    in_specs=[pl.BlockSpec((_W, _WW), lambda b, i: (0, 0))] +
             [pl.BlockSpec((1, _ROWS, _W), lambda b, i: (b, i, 0))] * 4,
    out_specs=[pl.BlockSpec((1, _ROWS // 16, _WW), lambda b, i: (b, i, 0))] * 4,
    out_shape=[jax.ShapeDtypeStruct((_B, _HW, _WW), jnp.float32)] * 4,
    compiler_params=pltpu.CompilerParams(
        dimension_semantics=("arbitrary", "arbitrary")),
)


def _loss_body(cr_ref, ct_ref, sr_ref, st_ref, n_ref, o_ref):
    n = n_ref[...]
    e_r = jnp.abs(cr_ref[...] - n)
    e_t = jnp.abs(ct_ref[...] - n)
    y = jnp.where(e_r < e_t, 1.0, 0.0)
    ignore = jnp.abs(e_r - e_t) < _DELTA
    r_r = sr_ref[...] * (1.0 / 256.0)
    r_t = st_ref[...] * (1.0 / 256.0)
    w_r = r_r / (r_r + r_t + _EPS)
    log_w = jnp.clip(jnp.log(w_r), -100.0, None)
    log_1w = jnp.clip(jnp.log(1.0 - w_r), -100.0, None)
    loss = -(y * log_w + (1.0 - y) * log_1w)
    loss = jnp.where(ignore, 0.0, loss)
    num_valid = jnp.sum((~ignore).astype(jnp.float32))
    loss_sum = jnp.sum(loss)
    o_ref[0, 0] = jnp.where(num_valid == 0.0, 0.0,
                            loss_sum / jnp.maximum(num_valid, 1.0))


_loss = pl.pallas_call(
    _loss_body,
    out_specs=pl.BlockSpec(memory_space=pltpu.SMEM),
    out_shape=jax.ShapeDtypeStruct((1, 1), jnp.float32),
)


def kernel(D_R, D_T, r_R, r_T, points_list):
    dr = D_R.reshape(_B, _H, _W)
    dt = D_T.reshape(_B, _H, _W)
    rr = r_R.reshape(_B, _H, _W)
    rt = r_T.reshape(_B, _H, _W)

    xs = points_list[:, :, 0].reshape(-1)
    ys = points_list[:, :, 1].reshape(-1)
    counts = _make_sc_hist()(xs, ys).reshape(_B, _HW, _WW)

    c_r, c_t, s_r, s_t = _pool(_PMAT, dr, dt, rr, rt)
    out = _loss(c_r, c_t, s_r, s_t, counts)
    return out.reshape(())

# --- scband reference (transcript-rebuilt; emitter-appended) ---
"""Pipeline reference for scband-bpl-loss-59768764891591 (READ-ONLY COPY).

The authoritative reference and input builder live on the scoring server;
editing this copy changes nothing except your own understanding.
"""

import jax, jax.numpy as jnp
import numpy as np

WS = 16
STRIDE = 16
DELTA = 0.5
EPS = 1e-08


def avg_pool(x):
    B, C, H, W = x.shape
    return x.reshape(B, C, H // WS, WS, W // WS, WS).mean(axis=(3, 5))


def setup_inputs(seed: int = 0) -> dict:
    key = jax.random.key(seed)
    k1, k2, k3, k4, k5 = jax.random.split(key, 5)
    B, H, W, P = 4, 2048, 2048, 4000
    return {
        "D_R": jax.random.uniform(k1, (B, 1, H, W), dtype=jnp.float32),
        "D_T": jax.random.uniform(k2, (B, 1, H, W), dtype=jnp.float32),
        "r_R": jax.random.uniform(k3, (B, 1, H, W), dtype=jnp.float32),
        "r_T": jax.random.uniform(k4, (B, 1, H, W), dtype=jnp.float32),
        "points_list": jax.random.randint(k5, (B, P, 2), 0, 8192, dtype=jnp.int32),
    }


def reference(D_R, D_T, r_R, r_T, points_list):
    C_R_j = avg_pool(D_R) * (WS ** 2)
    C_T_j = avg_pool(D_T) * (WS ** 2)
    B, _, H_w, W_w = C_R_j.shape

    def counts_one(points):
        pts = points.astype(jnp.float32) / 4.0
        bin_x = (pts[:, 0] / STRIDE).astype(jnp.int32)
        bin_y = (pts[:, 1] / STRIDE).astype(jnp.int32)
        mask = (bin_x < W_w) & (bin_y < H_w) & (bin_x >= 0) & (bin_y >= 0)
        idx = jnp.where(mask, bin_y * W_w + bin_x, 0)
        counts = jnp.zeros(H_w * W_w, jnp.float32).at[idx].add(mask.astype(jnp.float32))
        return counts.reshape(H_w, W_w)

    N_GT_j = jax.vmap(counts_one)(points_list)[:, None, :, :]

    e_R_j = jnp.abs(C_R_j - N_GT_j)
    e_T_j = jnp.abs(C_T_j - N_GT_j)
    y_j = jnp.where(e_R_j < e_T_j, 1.0, 0.0)
    ignore_mask = jnp.abs(e_R_j - e_T_j) < DELTA

    r_R_j = avg_pool(r_R)
    r_T_j = avg_pool(r_T)
    w_R_j = r_R_j / (r_R_j + r_T_j + EPS)

    log_w = jnp.clip(jnp.log(w_R_j), -100.0, None)
    log_1w = jnp.clip(jnp.log(1.0 - w_R_j), -100.0, None)
    loss = -(y_j * log_w + (1.0 - y_j) * log_1w)
    loss = jnp.where(ignore_mask, 0.0, loss)

    num_valid = jnp.sum(~ignore_mask).astype(jnp.float32)
    return jnp.where(num_valid == 0, 0.0, loss.sum() / jnp.maximum(num_valid, 1.0))

if __name__ == "__main__":
    import jax
    _d = setup_inputs()
    print(jax.jit(kernel)(*tuple(_d.values())))

</pallas_src>

<mosaic_0001>
#map = affine_map<(d0, d1) -> (0)>
module attributes {stable_mosaic.version = 14 : i64} {
  func.func @_sc_hist(%arg0: i32, %arg1: i32, %arg2: memref<16000xi32, #tpu.memory_space<hbm>>, %arg3: memref<16000xi32, #tpu.memory_space<hbm>>, %arg4: memref<65536xf32, #tpu.memory_space<hbm>>, %arg5: memref<504xi32, #tpu.memory_space<vmem>>, %arg6: memref<504xi32, #tpu.memory_space<vmem>>, %arg7: memref<128xi32, #tpu.memory_space<vmem>>, %arg8: memref<128xi32, #tpu.memory_space<vmem>>, %arg9: memref<128xi32, #tpu.memory_space<vmem>>, %arg10: memref<128xi32, #tpu.memory_space<vmem>>, %arg11: memref<128xf32, #tpu.memory_space<vmem>>, %arg12: memref<2064xf32, #tpu.memory_space<vmem>>, %arg13: memref<33024xf32, #tpu.memory_space<vmem_shared>>) attributes {dimension_semantics = [#tpu.dimension_semantics<core_parallel>, #tpu.dimension_semantics<subcore_parallel>], iteration_bounds = array<i64: 2, 16>, scalar_prefetch = 0 : i64, scratch_operands = 9 : i64, tpu.core_type = #tpu.core_type<sc_vector_subcore>, window_params = [{transform_indices = #map}, {transform_indices = #map}, {transform_indices = #map}]} {
    %jit3A = arith.constant 8 : i32
    %div3A = arith.divsi %arg1, %jit3A : i32
    %sign3A = arith.constant 0 : i32
    %sign3A_0 = arith.cmpi sgt, %arg1, %sign3A : i32
    %sign3A_1 = arith.extui %sign3A_0 : i1 to i32
    %sign3A_2 = arith.constant 0 : i32
    %sign3A_3 = arith.cmpi slt, %arg1, %sign3A_2 : i32
    %sign3A_4 = arith.extui %sign3A_3 : i1 to i32
    %sign3A_5 = arith.subi %sign3A_1, %sign3A_4 : i32
    %sign3A_6 = arith.constant 0 : i32
    %sign3A_7 = arith.cmpi sgt, %jit3A, %sign3A_6 : i32
    %sign3A_8 = arith.extui %sign3A_7 : i1 to i32
    %sign3A_9 = arith.constant 0 : i32
    %sign3A_10 = arith.cmpi slt, %jit3A, %sign3A_9 : i32
    %sign3A_11 = arith.extui %sign3A_10 : i1 to i32
    %sign3A_12 = arith.subi %sign3A_8, %sign3A_11 : i32
    %ne3A = arith.cmpi ne, %sign3A_5, %sign3A_12 : i32
    %rem3A = arith.remsi %arg1, %jit3A : i32
    %ne3A_13 = arith.constant 0 : i32
    %ne3A_14 = arith.cmpi ne, %rem3A, %ne3A_13 : i32
    %and3A = arith.andi %ne3A, %ne3A_14 : i1
    %sub3A = arith.constant 1 : i32
    %sub3A_15 = arith.subi %div3A, %sub3A : i32
    %select_n3A = arith.select %and3A, %sub3A_15, %div3A : i32
    %jit3A_16 = arith.constant 8 : i32
    %eq3A = arith.constant 0 : i32
    %eq3A_17 = arith.cmpi eq, %jit3A_16, %eq3A : i32
    %jit3A_18 = arith.constant 1 : i32
    %select_n3A_19 = arith.select %eq3A_17, %jit3A_18, %jit3A_16 : i32
    %rem3A_20 = arith.remsi %arg1, %select_n3A_19 : i32
    %ne3A_21 = arith.constant 0 : i32
    %ne3A_22 = arith.cmpi ne, %rem3A_20, %ne3A_21 : i32
    %lt3A = arith.constant 0 : i32
    %lt3A_23 = arith.cmpi slt, %rem3A_20, %lt3A : i32
    %lt3A_24 = arith.constant 0 : i32
    %lt3A_25 = arith.cmpi slt, %select_n3A_19, %lt3A_24 : i32
    %ne3A_26 = arith.xori %lt3A_23, %lt3A_25 : i1
    %and3A_27 = arith.andi %ne3A_26, %ne3A_22 : i1
    %add3A = arith.addi %rem3A_20, %select_n3A_19 : i32
    %select_n3A_28 = arith.select %and3A_27, %add3A, %rem3A_20 : i32
    %mul3A = arith.constant 2 : i32
    %mul3A_29 = arith.muli %mul3A, %arg0 : i32
    %add3A_30 = arith.addi %mul3A_29, %select_n3A : i32
    %scan3A = arith.constant 0 : i32
    %scan3A_31 = arith.constant 129 : i32
    %scan3A_32 = arith.addi %scan3A, %scan3A_31 : i32
    %scan3A_33 = arith.constant 1 : i32
    scf.for %scan3A_130 = %scan3A to %scan3A_32 step %scan3A_33  : i32 {
      %mul3A_131 = arith.constant 1 : i32
      %mul3A_132 = arith.muli %scan3A_130, %mul3A_131 : i32
      %add3A_133 = arith.constant 0 : i32
      %add3A_134 = arith.addi %add3A_133, %mul3A_132 : i32
      %broadcast_in_dim3A = arith.constant 0.000000e+00 : f32
      %broadcast_in_dim3A_135 = vector.broadcast %broadcast_in_dim3A : f32 to vector<16xf32>
      %mul3A_136 = arith.constant 16 : i32
      %mul3A_137 = arith.muli %add3A_134, %mul3A_136 : i32
      %swap3A_138 = arith.index_cast %mul3A_137 : i32 to index
      %swap3A_139 = tpu.vector_load %arg12[%swap3A_138] {strides = array<i32>} : memref<2064xf32, #tpu.memory_space<vmem>>, vector<16xf32>,
      tpu.vector_store %arg12[%swap3A_138], %broadcast_in_dim3A_135 {strides = array<i32>} : memref<2064xf32, #tpu.memory_space<vmem>>, vector<16xf32>,
    }
    %scan3A_34 = arith.constant 129 : i32
    %mul3A_35 = arith.constant 2064 : i32
    %mul3A_36 = arith.muli %arg1, %mul3A_35 : i32
    "tpu.region"() ({
      %run_scoped3A = tpu.sem_alloc : memref<!tpu.dma_semaphore, #tpu.memory_space<semaphore_mem>>
      %dma_start3A = tpu.memref_slice %arg13[%mul3A_36] : memref<33024xf32, #tpu.memory_space<vmem_shared>> -> memref<2064xf32, #tpu.memory_space<vmem_shared>>
      %dma_start3A_130 = tpu.memref_slice %arg13[%mul3A_36] : memref<33024xf32, #tpu.memory_space<vmem_shared>> -> memref<2064xf32, #tpu.memory_space<vmem_shared>>
      tpu.enqueue_dma source(%arg12 : memref<2064xf32, #tpu.memory_space<vmem>>) target(%dma_start3A_130 : memref<2064xf32, #tpu.memory_space<vmem_shared>>) target_semaphore(%run_scoped3A : memref<!tpu.dma_semaphore, #tpu.memory_space<semaphore_mem>>)
      %dma_wait3A = tpu.memref_slice %arg13[%mul3A_36] : memref<33024xf32, #tpu.memory_space<vmem_shared>> -> memref<2064xf32, #tpu.memory_space<vmem_shared>>
      %dma_wait3A_131 = tpu.memref_slice %arg13[%mul3A_36] : memref<33024xf32, #tpu.memory_space<vmem_shared>> -> memref<2064xf32, #tpu.memory_space<vmem_shared>>
      tpu.wait_dma2 semaphore(%run_scoped3A : memref<!tpu.dma_semaphore, #tpu.memory_space<semaphore_mem>>) src(%arg12 : memref<2064xf32, #tpu.memory_space<vmem>>) dst(%dma_wait3A_131 : memref<2064xf32, #tpu.memory_space<vmem_shared>>)
      tpu.yield
    }) : () -> ()
    %scan3A_37 = arith.constant 0 : i32
    %scan3A_38 = arith.constant 8 : i32
    %scan3A_39 = arith.addi %scan3A_37, %scan3A_38 : i32
    %scan3A_40 = arith.constant 1 : i32
    scf.for %scan3A_130 = %scan3A_37 to %scan3A_39 step %scan3A_40  : i32 {
      %mul3A_131 = arith.constant 1 : i32
      %mul3A_132 = arith.muli %scan3A_130, %mul3A_131 : i32
      %add3A_133 = arith.constant 0 : i32
      %add3A_134 = arith.addi %add3A_133, %mul3A_132 : i32
      %broadcast_in_dim3A = arith.constant 1.000000e+00 : f32
      %broadcast_in_dim3A_135 = vector.broadcast %broadcast_in_dim3A : f32 to vector<16xf32>
      %mul3A_136 = arith.constant 16 : i32
      %mul3A_137 = arith.muli %add3A_134, %mul3A_136 : i32
      %swap3A_138 = arith.index_cast %mul3A_137 : i32 to index
      %swap3A_139 = tpu.vector_load %arg11[%swap3A_138] {strides = array<i32>} : memref<128xf32, #tpu.memory_space<vmem>>, vector<16xf32>,
      tpu.vector_store %arg11[%swap3A_138], %broadcast_in_dim3A_135 {strides = array<i32>} : memref<128xf32, #tpu.memory_space<vmem>>, vector<16xf32>,
    }
    %scan3A_41 = arith.constant 8 : i32
    %jit3A_42 = arith.constant 2 : i32
    %eq3A_43 = arith.constant 0 : i32
    %eq3A_44 = arith.cmpi eq, %jit3A_42, %eq3A_43 : i32
    %jit3A_45 = arith.constant 1 : i32
    %select_n3A_46 = arith.select %eq3A_44, %jit3A_45, %jit3A_42 : i32
    %rem3A_47 = arith.remsi %select_n3A_28, %select_n3A_46 : i32
    %ne3A_48 = arith.constant 0 : i32
    %ne3A_49 = arith.cmpi ne, %rem3A_47, %ne3A_48 : i32
    %lt3A_50 = arith.constant 0 : i32
    %lt3A_51 = arith.cmpi slt, %rem3A_47, %lt3A_50 : i32
    %lt3A_52 = arith.constant 0 : i32
    %lt3A_53 = arith.cmpi slt, %select_n3A_46, %lt3A_52 : i32
    %ne3A_54 = arith.xori %lt3A_51, %lt3A_53 : i1
    %and3A_55 = arith.andi %ne3A_54, %ne3A_49 : i1
    %add3A_56 = arith.addi %rem3A_47, %select_n3A_46 : i32
    %select_n3A_57 = arith.select %and3A_55, %add3A_56, %rem3A_47 : i32
    %mul3A_58 = arith.constant 4 : i32
    %mul3A_59 = arith.muli %select_n3A_57, %mul3A_58 : i32
    %mul3A_60 = arith.constant 4000 : i32
    %mul3A_61 = arith.muli %add3A_30, %mul3A_60 : i32
    %mul3A_62 = arith.constant 500 : i32
    %mul3A_63 = arith.muli %select_n3A_28, %mul3A_62 : i32
    %add3A_64 = arith.addi %mul3A_61, %mul3A_63 : i32
    %sub3A_65 = arith.subi %add3A_64, %mul3A_59 : i32
    %multiple_of3A = tpu.assume_multiple %sub3A_65, 8 : i32
    "tpu.region"() ({
      %run_scoped3A = tpu.sem_alloc : memref<!tpu.dma_semaphore, #tpu.memory_space<semaphore_mem>>
      %dma_start3A = tpu.memref_slice %arg2[%multiple_of3A] : memref<16000xi32, #tpu.memory_space<hbm>> -> memref<504xi32, #tpu.memory_space<hbm>>
      %dma_start3A_130 = tpu.memref_slice %arg2[%multiple_of3A] : memref<16000xi32, #tpu.memory_space<hbm>> -> memref<504xi32, #tpu.memory_space<hbm>>
      tpu.enqueue_dma source(%dma_start3A_130 : memref<504xi32, #tpu.memory_space<hbm>>) target(%arg5 : memref<504xi32, #tpu.memory_space<vmem>>) target_semaphore(%run_scoped3A : memref<!tpu.dma_semaphore, #tpu.memory_space<semaphore_mem>>)
      %dma_wait3A = tpu.memref_slice %arg2[%multiple_of3A] : memref<16000xi32, #tpu.memory_space<hbm>> -> memref<504xi32, #tpu.memory_space<hbm>>
      %dma_wait3A_131 = tpu.memref_slice %arg2[%multiple_of3A] : memref<16000xi32, #tpu.memory_space<hbm>> -> memref<504xi32, #tpu.memory_space<hbm>>
      tpu.wait_dma2 semaphore(%run_scoped3A : memref<!tpu.dma_semaphore, #tpu.memory_space<semaphore_mem>>) src(%dma_wait3A_131 : memref<504xi32, #tpu.memory_space<hbm>>) dst(%arg5 : memref<504xi32, #tpu.memory_space<vmem>>)
      tpu.yield
    }) : () -> ()
    "tpu.region"() ({
      %run_scoped3A = tpu.sem_alloc : memref<!tpu.dma_semaphore, #tpu.memory_space<semaphore_mem>>
      %dma_start3A = tpu.memref_slice %arg3[%multiple_of3A] : memref<16000xi32, #tpu.memory_space<hbm>> -> memref<504xi32, #tpu.memory_space<hbm>>
      %dma_start3A_130 = tpu.memref_slice %arg3[%multiple_of3A] : memref<16000xi32, #tpu.memory_space<hbm>> -> memref<504xi32, #tpu.memory_space<hbm>>
      tpu.enqueue_dma source(%dma_start3A_130 : memref<504xi32, #tpu.memory_space<hbm>>) target(%arg6 : memref<504xi32, #tpu.memory_space<vmem>>) target_semaphore(%run_scoped3A : memref<!tpu.dma_semaphore, #tpu.memory_space<semaphore_mem>>)
      %dma_wait3A = tpu.memref_slice %arg3[%multiple_of3A] : memref<16000xi32, #tpu.memory_space<hbm>> -> memref<504xi32, #tpu.memory_space<hbm>>
      %dma_wait3A_131 = tpu.memref_slice %arg3[%multiple_of3A] : memref<16000xi32, #tpu.memory_space<hbm>> -> memref<504xi32, #tpu.memory_space<hbm>>
      tpu.wait_dma2 semaphore(%run_scoped3A : memref<!tpu.dma_semaphore, #tpu.memory_space<semaphore_mem>>) src(%dma_wait3A_131 : memref<504xi32, #tpu.memory_space<hbm>>) dst(%arg6 : memref<504xi32, #tpu.memory_space<vmem>>)
      tpu.yield
    }) : () -> ()
    %mul3A_66 = arith.constant 16512 : i32
    %mul3A_67 = arith.muli %select_n3A, %mul3A_66 : i32
    %iota3A = tpu.iota {dimensions = array<i32: 0>} : vector<16xi32>
    %scan3A_68 = arith.constant 0 : i32
    %scan3A_69 = arith.constant 8 : i32
    %scan3A_70 = arith.addi %scan3A_68, %scan3A_69 : i32
    %scan3A_71 = arith.constant 1 : i32
    scf.for %scan3A_130 = %scan3A_68 to %scan3A_70 step %scan3A_71  : i32 {
      %mul3A_131 = arith.constant 1 : i32
      %mul3A_132 = arith.muli %scan3A_130, %mul3A_131 : i32
      %add3A_133 = arith.constant 0 : i32
      %add3A_134 = arith.addi %add3A_133, %mul3A_132 : i32
      %add3A_135 = arith.constant 0 : i32
      %add3A_136 = arith.addi %mul3A_59, %add3A_135 : i32
      %mul3A_137 = arith.constant 16 : i32
      %mul3A_138 = arith.muli %add3A_134, %mul3A_137 : i32
      %add3A_139 = arith.addi %add3A_136, %mul3A_138 : i32
      %add3A_140 = vector.broadcast %add3A_139 : i32 to vector<16xi32>
      %add3A_141 = arith.addi %add3A_140, %iota3A : vector<16xi32>
      %gather3A_142 = tpu.vector_load_idx %arg5[%add3A_141] : memref<504xi32, #tpu.memory_space<vmem>>[vector<16xi32>], vector<16xi32>,
      %gather3A_143 = tpu.vector_load_idx %arg6[%add3A_141] : memref<504xi32, #tpu.memory_space<vmem>>[vector<16xi32>], vector<16xi32>,
      %shift_right_arithmetic3A_144 = arith.constant 6 : i32
      %shift_right_arithmetic3A_145 = vector.broadcast %shift_right_arithmetic3A_144 : i32 to vector<16xi32>
      %shift_right_arithmetic3A_146 = arith.shrsi %gather3A_143, %shift_right_arithmetic3A_145 : vector<16xi32>
      %mul3A_147 = arith.constant 128 : i32
      %mul3A_148 = vector.broadcast %mul3A_147 : i32 to vector<16xi32>
      %mul3A_149 = arith.muli %shift_right_arithmetic3A_146, %mul3A_148 : vector<16xi32>
      %shift_right_arithmetic3A_150 = arith.constant 6 : i32
      %shift_right_arithmetic3A_151 = vector.broadcast %shift_right_arithmetic3A_150 : i32 to vector<16xi32>
      %shift_right_arithmetic3A_152 = arith.shrsi %gather3A_142, %shift_right_arithmetic3A_151 : vector<16xi32>
      %add3A_153 = arith.addi %mul3A_149, %shift_right_arithmetic3A_152 : vector<16xi32>
      %add3A_154 = vector.broadcast %mul3A_67 : i32 to vector<16xi32>
      %add3A_155 = arith.addi %add3A_153, %add3A_154 : vector<16xi32>
      %mul3A_156 = arith.constant 16 : i32
      %mul3A_157 = arith.muli %add3A_134, %mul3A_156 : i32
      %swap3A_158 = arith.index_cast %mul3A_157 : i32 to index
      %swap3A_159 = tpu.vector_load %arg7[%swap3A_158] {strides = array<i32>} : memref<128xi32, #tpu.memory_space<vmem>>, vector<16xi32>,
      tpu.vector_store %arg7[%swap3A_158], %add3A_155 {strides = array<i32>} : memref<128xi32, #tpu.memory_space<vmem>>, vector<16xi32>,
    }
    %scan3A_72 = arith.constant 8 : i32
    %scan3A_73 = arith.constant 0 : i32
    %scan3A_74 = arith.constant 8 : i32
    %scan3A_75 = arith.addi %scan3A_73, %scan3A_74 : i32
    %scan3A_76 = arith.constant 1 : i32
    scf.for %scan3A_130 = %scan3A_73 to %scan3A_75 step %scan3A_76  : i32 {
      %mul3A_131 = arith.constant 1 : i32
      %mul3A_132 = arith.muli %scan3A_130, %mul3A_131 : i32
      %add3A_133 = arith.constant 0 : i32
      %add3A_134 = arith.addi %add3A_133, %mul3A_132 : i32
      %add3A_135 = arith.constant 128 : i32
      %add3A_136 = arith.addi %mul3A_59, %add3A_135 : i32
      %mul3A_137 = arith.constant 16 : i32
      %mul3A_138 = arith.muli %add3A_134, %mul3A_137 : i32
      %add3A_139 = arith.addi %add3A_136, %mul3A_138 : i32
      %add3A_140 = vector.broadcast %add3A_139 : i32 to vector<16xi32>
      %add3A_141 = arith.addi %add3A_140, %iota3A : vector<16xi32>
      %gather3A_142 = tpu.vector_load_idx %arg5[%add3A_141] : memref<504xi32, #tpu.memory_space<vmem>>[vector<16xi32>], vector<16xi32>,
      %gather3A_143 = tpu.vector_load_idx %arg6[%add3A_141] : memref<504xi32, #tpu.memory_space<vmem>>[vector<16xi32>], vector<16xi32>,
      %shift_right_arithmetic3A_144 = arith.constant 6 : i32
      %shift_right_arithmetic3A_145 = vector.broadcast %shift_right_arithmetic3A_144 : i32 to vector<16xi32>
      %shift_right_arithmetic3A_146 = arith.shrsi %gather3A_143, %shift_right_arithmetic3A_145 : vector<16xi32>
      %mul3A_147 = arith.constant 128 : i32
      %mul3A_148 = vector.broadcast %mul3A_147 : i32 to vector<16xi32>
      %mul3A_149 = arith.muli %shift_right_arithmetic3A_146, %mul3A_148 : vector<16xi32>
      %shift_right_arithmetic3A_150 = arith.constant 6 : i32
      %shift_right_arithmetic3A_151 = vector.broadcast %shift_right_arithmetic3A_150 : i32 to vector<16xi32>
      %shift_right_arithmetic3A_152 = arith.shrsi %gather3A_142, %shift_right_arithmetic3A_151 : vector<16xi32>
      %add3A_153 = arith.addi %mul3A_149, %shift_right_arithmetic3A_152 : vector<16xi32>
      %add3A_154 = vector.broadcast %mul3A_67 : i32 to vector<16xi32>
      %add3A_155 = arith.addi %add3A_153, %add3A_154 : vector<16xi32>
      %mul3A_156 = arith.constant 16 : i32
      %mul3A_157 = arith.muli %add3A_134, %mul3A_156 : i32
      %swap3A_158 = arith.index_cast %mul3A_157 : i32 to index
      %swap3A_159 = tpu.vector_load %arg8[%swap3A_158] {strides = array<i32>} : memref<128xi32, #tpu.memory_space<vmem>>, vector<16xi32>,
      tpu.vector_store %arg8[%swap3A_158], %add3A_155 {strides = array<i32>} : memref<128xi32, #tpu.memory_space<vmem>>, vector<16xi32>,
    }
    %scan3A_77 = arith.constant 8 : i32
    %scan3A_78 = arith.constant 0 : i32
    %scan3A_79 = arith.constant 8 : i32
    %scan3A_80 = arith.addi %scan3A_78, %scan3A_79 : i32
    %scan3A_81 = arith.constant 1 : i32
    scf.for %scan3A_130 = %scan3A_78 to %scan3A_80 step %scan3A_81  : i32 {
      %mul3A_131 = arith.constant 1 : i32
      %mul3A_132 = arith.muli %scan3A_130, %mul3A_131 : i32
      %add3A_133 = arith.constant 0 : i32
      %add3A_134 = arith.addi %add3A_133, %mul3A_132 : i32
      %add3A_135 = arith.constant 256 : i32
      %add3A_136 = arith.addi %mul3A_59, %add3A_135 : i32
      %mul3A_137 = arith.constant 16 : i32
      %mul3A_138 = arith.muli %add3A_134, %mul3A_137 : i32
      %add3A_139 = arith.addi %add3A_136, %mul3A_138 : i32
      %add3A_140 = vector.broadcast %add3A_139 : i32 to vector<16xi32>
      %add3A_141 = arith.addi %add3A_140, %iota3A : vector<16xi32>
      %gather3A_142 = tpu.vector_load_idx %arg5[%add3A_141] : memref<504xi32, #tpu.memory_space<vmem>>[vector<16xi32>], vector<16xi32>,
      %gather3A_143 = tpu.vector_load_idx %arg6[%add3A_141] : memref<504xi32, #tpu.memory_space<vmem>>[vector<16xi32>], vector<16xi32>,
      %shift_right_arithmetic3A_144 = arith.constant 6 : i32
      %shift_right_arithmetic3A_145 = vector.broadcast %shift_right_arithmetic3A_144 : i32 to vector<16xi32>
      %shift_right_arithmetic3A_146 = arith.shrsi %gather3A_143, %shift_right_arithmetic3A_145 : vector<16xi32>
      %mul3A_147 = arith.constant 128 : i32
      %mul3A_148 = vector.broadcast %mul3A_147 : i32 to vector<16xi32>
      %mul3A_149 = arith.muli %shift_right_arithmetic3A_146, %mul3A_148 : vector<16xi32>
      %shift_right_arithmetic3A_150 = arith.constant 6 : i32
      %shift_right_arithmetic3A_151 = vector.broadcast %shift_right_arithmetic3A_150 : i32 to vector<16xi32>
      %shift_right_arithmetic3A_152 = arith.shrsi %gather3A_142, %shift_right_arithmetic3A_151 : vector<16xi32>
      %add3A_153 = arith.addi %mul3A_149, %shift_right_arithmetic3A_152 : vector<16xi32>
      %add3A_154 = vector.broadcast %mul3A_67 : i32 to vector<16xi32>
      %add3A_155 = arith.addi %add3A_153, %add3A_154 : vector<16xi32>
      %mul3A_156 = arith.constant 16 : i32
      %mul3A_157 = arith.muli %add3A_134, %mul3A_156 : i32
      %swap3A_158 = arith.index_cast %mul3A_157 : i32 to index
      %swap3A_159 = tpu.vector_load %arg9[%swap3A_158] {strides = array<i32>} : memref<128xi32, #tpu.memory_space<vmem>>, vector<16xi32>,
      tpu.vector_store %arg9[%swap3A_158], %add3A_155 {strides = array<i32>} : memref<128xi32, #tpu.memory_space<vmem>>, vector<16xi32>,
    }
    %scan3A_82 = arith.constant 8 : i32
    %scan3A_83 = arith.constant 0 : i32
    %scan3A_84 = arith.constant 7 : i32
    %scan3A_85 = arith.addi %scan3A_83, %scan3A_84 : i32
    %scan3A_86 = arith.constant 1 : i32
    scf.for %scan3A_130 = %scan3A_83 to %scan3A_85 step %scan3A_86  : i32 {
      %mul3A_131 = arith.constant 1 : i32
      %mul3A_132 = arith.muli %scan3A_130, %mul3A_131 : i32
      %add3A_133 = arith.constant 0 : i32
      %add3A_134 = arith.addi %add3A_133, %mul3A_132 : i32
      %add3A_135 = arith.constant 384 : i32
      %add3A_136 = arith.addi %mul3A_59, %add3A_135 : i32
      %mul3A_137 = arith.constant 16 : i32
      %mul3A_138 = arith.muli %add3A_134, %mul3A_137 : i32
      %add3A_139 = arith.addi %add3A_136, %mul3A_138 : i32
      %add3A_140 = vector.broadcast %add3A_139 : i32 to vector<16xi32>
      %add3A_141 = arith.addi %add3A_140, %iota3A : vector<16xi32>
      %gather3A_142 = tpu.vector_load_idx %arg5[%add3A_141] : memref<504xi32, #tpu.memory_space<vmem>>[vector<16xi32>], vector<16xi32>,
      %gather3A_143 = tpu.vector_load_idx %arg6[%add3A_141] : memref<504xi32, #tpu.memory_space<vmem>>[vector<16xi32>], vector<16xi32>,
      %shift_right_arithmetic3A_144 = arith.constant 6 : i32
      %shift_right_arithmetic3A_145 = vector.broadcast %shift_right_arithmetic3A_144 : i32 to vector<16xi32>
      %shift_right_arithmetic3A_146 = arith.shrsi %gather3A_143, %shift_right_arithmetic3A_145 : vector<16xi32>
      %mul3A_147 = arith.constant 128 : i32
      %mul3A_148 = vector.broadcast %mul3A_147 : i32 to vector<16xi32>
      %mul3A_149 = arith.muli %shift_right_arithmetic3A_146, %mul3A_148 : vector<16xi32>
      %shift_right_arithmetic3A_150 = arith.constant 6 : i32
      %shift_right_arithmetic3A_151 = vector.broadcast %shift_right_arithmetic3A_150 : i32 to vector<16xi32>
      %shift_right_arithmetic3A_152 = arith.shrsi %gather3A_142, %shift_right_arithmetic3A_151 : vector<16xi32>
      %add3A_153 = arith.addi %mul3A_149, %shift_right_arithmetic3A_152 : vector<16xi32>
      %add3A_154 = vector.broadcast %mul3A_67 : i32 to vector<16xi32>
      %add3A_155 = arith.addi %add3A_153, %add3A_154 : vector<16xi32>
      %mul3A_156 = arith.constant 16 : i32
      %mul3A_157 = arith.muli %add3A_134, %mul3A_156 : i32
      %swap3A_158 = arith.index_cast %mul3A_157 : i32 to index
      %swap3A_159 = tpu.vector_load %arg10[%swap3A_158] {strides = array<i32>} : memref<128xi32, #tpu.memory_space<vmem>>, vector<16xi32>,
      tpu.vector_store %arg10[%swap3A_158], %add3A_155 {strides = array<i32>} : memref<128xi32, #tpu.memory_space<vmem>>, vector<16xi32>,
    }
    %scan3A_87 = arith.constant 7 : i32
    %add3A_88 = arith.constant 496 : i32
    %add3A_89 = arith.addi %mul3A_59, %add3A_88 : i32
    %add3A_90 = vector.broadcast %add3A_89 : i32 to vector<16xi32>
    %add3A_91 = arith.addi %add3A_90, %iota3A : vector<16xi32>
    %add3A_92 = arith.constant 500 : i32
    %add3A_93 = arith.addi %mul3A_59, %add3A_92 : i32
    %sub3A_94 = arith.constant 1 : i32
    %sub3A_95 = arith.subi %add3A_93, %sub3A_94 : i32
    %min3A = vector.broadcast %sub3A_95 : i32 to vector<16xi32>
    %min3A_96 = arith.minsi %add3A_91, %min3A : vector<16xi32>
    %gather3A = tpu.vector_load_idx %arg5[%min3A_96] : memref<504xi32, #tpu.memory_space<vmem>>[vector<16xi32>], vector<16xi32>,
    %gather3A_97 = tpu.vector_load_idx %arg6[%min3A_96] : memref<504xi32, #tpu.memory_space<vmem>>[vector<16xi32>], vector<16xi32>,
    %shift_right_arithmetic3A = arith.constant 6 : i32
    %shift_right_arithmetic3A_98 = vector.broadcast %shift_right_arithmetic3A : i32 to vector<16xi32>
    %shift_right_arithmetic3A_99 = arith.shrsi %gather3A_97, %shift_right_arithmetic3A_98 : vector<16xi32>
    %mul3A_100 = arith.constant 128 : i32
    %mul3A_101 = vector.broadcast %mul3A_100 : i32 to vector<16xi32>
    %mul3A_102 = arith.muli %shift_right_arithmetic3A_99, %mul3A_101 : vector<16xi32>
    %shift_right_arithmetic3A_103 = arith.constant 6 : i32
    %shift_right_arithmetic3A_104 = vector.broadcast %shift_right_arithmetic3A_103 : i32 to vector<16xi32>
    %shift_right_arithmetic3A_105 = arith.shrsi %gather3A, %shift_right_arithmetic3A_104 : vector<16xi32>
    %add3A_106 = arith.addi %mul3A_102, %shift_right_arithmetic3A_105 : vector<16xi32>
    %add3A_107 = vector.broadcast %mul3A_67 : i32 to vector<16xi32>
    %add3A_108 = arith.addi %add3A_106, %add3A_107 : vector<16xi32>
    %lt3A_109 = arith.constant 4 : i32
    %lt3A_110 = vector.broadcast %lt3A_109 : i32 to vector<16xi32>
    %lt3A_111 = arith.cmpi slt, %iota3A, %lt3A_110 : vector<16xi32>
    %add3A_112 = arith.constant 16384 : i32
    %add3A_113 = vector.broadcast %add3A_112 : i32 to vector<16xi32>
    %add3A_114 = arith.addi %add3A_113, %iota3A : vector<16xi32>
    %add3A_115 = vector.broadcast %mul3A_67 : i32 to vector<16xi32>
    %add3A_116 = arith.addi %add3A_114, %add3A_115 : vector<16xi32>
    %select_n3A_117 = arith.select %lt3A_111, %add3A_108, %add3A_116 : vector<16xi1>, vector<16xi32>
    %swap3A = arith.constant 112 : index
    %swap3A_118 = tpu.vector_load %arg10[%swap3A] {strides = array<i32>} : memref<128xi32, #tpu.memory_space<vmem>>, vector<16xi32>,
    tpu.vector_store %arg10[%swap3A], %select_n3A_117 {strides = array<i32>} : memref<128xi32, #tpu.memory_space<vmem>>, vector<16xi32>,
    %barrier3A = arith.constant 0 : index
    tpu.barrier barrier_id(%barrier3A)
    "tpu.region"() ({
      %run_scoped3A = tpu.sem_alloc : memref<!tpu.dma_semaphore, #tpu.memory_space<semaphore_mem>>
      %dma_start3A = arith.constant 0 : i32
      %dma_start3A_130 = tpu.memref_slice %arg13[%dma_start3A] : memref<33024xf32, #tpu.memory_space<vmem_shared>> -> memref<33024xf32, #tpu.memory_space<vmem_shared>>
      tpu.enqueue_indirect_dma source(%arg11 : memref<128xf32, #tpu.memory_space<vmem>>) target(%dma_start3A_130 : memref<33024xf32, #tpu.memory_space<vmem_shared>>) offsets(%arg7 : memref<128xi32, #tpu.memory_space<vmem>>) semaphore(%run_scoped3A : memref<!tpu.dma_semaphore, #tpu.memory_space<semaphore_mem>>) {add = true}
      %dma_wait3A = arith.constant 0 : i32
      %dma_wait3A_131 = tpu.memref_slice %arg13[%dma_wait3A] : memref<33024xf32, #tpu.memory_space<vmem_shared>> -> memref<33024xf32, #tpu.memory_space<vmem_shared>>
      tpu.wait_indirect_dma semaphore(%run_scoped3A : memref<!tpu.dma_semaphore, #tpu.memory_space<semaphore_mem>>) src(%arg11 : memref<128xf32, #tpu.memory_space<vmem>>) dst(%dma_wait3A_131 : memref<33024xf32, #tpu.memory_space<vmem_shared>>)
      tpu.yield
    }) : () -> ()
    "tpu.region"() ({
      %run_scoped3A = tpu.sem_alloc : memref<!tpu.dma_semaphore, #tpu.memory_space<semaphore_mem>>
      %dma_start3A = arith.constant 0 : i32
      %dma_start3A_130 = tpu.memref_slice %arg13[%dma_start3A] : memref<33024xf32, #tpu.memory_space<vmem_shared>> -> memref<33024xf32, #tpu.memory_space<vmem_shared>>
      tpu.enqueue_indirect_dma source(%arg11 : memref<128xf32, #tpu.memory_space<vmem>>) target(%dma_start3A_130 : memref<33024xf32, #tpu.memory_space<vmem_shared>>) offsets(%arg8 : memref<128xi32, #tpu.memory_space<vmem>>) semaphore(%run_scoped3A : memref<!tpu.dma_semaphore, #tpu.memory_space<semaphore_mem>>) {add = true}
      %dma_wait3A = arith.constant 0 : i32
      %dma_wait3A_131 = tpu.memref_slice %arg13[%dma_wait3A] : memref<33024xf32, #tpu.memory_space<vmem_shared>> -> memref<33024xf32, #tpu.memory_space<vmem_shared>>
      tpu.wait_indirect_dma semaphore(%run_scoped3A : memref<!tpu.dma_semaphore, #tpu.memory_space<semaphore_mem>>) src(%arg11 : memref<128xf32, #tpu.memory_space<vmem>>) dst(%dma_wait3A_131 : memref<33024xf32, #tpu.memory_space<vmem_shared>>)
      tpu.yield
    }) : () -> ()
    "tpu.region"() ({
      %run_scoped3A = tpu.sem_alloc : memref<!tpu.dma_semaphore, #tpu.memory_space<semaphore_mem>>
      %dma_start3A = arith.constant 0 : i32
      %dma_start3A_130 = tpu.memref_slice %arg13[%dma_start3A] : memref<33024xf32, #tpu.memory_space<vmem_shared>> -> memref<33024xf32, #tpu.memory_space<vmem_shared>>
      tpu.enqueue_indirect_dma source(%arg11 : memref<128xf32, #tpu.memory_space<vmem>>) target(%dma_start3A_130 : memref<33024xf32, #tpu.memory_space<vmem_shared>>) offsets(%arg9 : memref<128xi32, #tpu.memory_space<vmem>>) semaphore(%run_scoped3A : memref<!tpu.dma_semaphore, #tpu.memory_space<semaphore_mem>>) {add = true}
      %dma_wait3A = arith.constant 0 : i32
      %dma_wait3A_131 = tpu.memref_slice %arg13[%dma_wait3A] : memref<33024xf32, #tpu.memory_space<vmem_shared>> -> memref<33024xf32, #tpu.memory_space<vmem_shared>>
      tpu.wait_indirect_dma semaphore(%run_scoped3A : memref<!tpu.dma_semaphore, #tpu.memory_space<semaphore_mem>>) src(%arg11 : memref<128xf32, #tpu.memory_space<vmem>>) dst(%dma_wait3A_131 : memref<33024xf32, #tpu.memory_space<vmem_shared>>)
      tpu.yield
    }) : () -> ()
    "tpu.region"() ({
      %run_scoped3A = tpu.sem_alloc : memref<!tpu.dma_semaphore, #tpu.memory_space<semaphore_mem>>
      %dma_start3A = arith.constant 0 : i32
      %dma_start3A_130 = tpu.memref_slice %arg13[%dma_start3A] : memref<33024xf32, #tpu.memory_space<vmem_shared>> -> memref<33024xf32, #tpu.memory_space<vmem_shared>>
      tpu.enqueue_indirect_dma source(%arg11 : memref<128xf32, #tpu.memory_space<vmem>>) target(%dma_start3A_130 : memref<33024xf32, #tpu.memory_space<vmem_shared>>) offsets(%arg10 : memref<128xi32, #tpu.memory_space<vmem>>) semaphore(%run_scoped3A : memref<!tpu.dma_semaphore, #tpu.memory_space<semaphore_mem>>) {add = true}
      %dma_wait3A = arith.constant 0 : i32
      %dma_wait3A_131 = tpu.memref_slice %arg13[%dma_wait3A] : memref<33024xf32, #tpu.memory_space<vmem_shared>> -> memref<33024xf32, #tpu.memory_space<vmem_shared>>
      tpu.wait_indirect_dma semaphore(%run_scoped3A : memref<!tpu.dma_semaphore, #tpu.memory_space<semaphore_mem>>) src(%arg11 : memref<128xf32, #tpu.memory_space<vmem>>) dst(%dma_wait3A_131 : memref<33024xf32, #tpu.memory_space<vmem_shared>>)
      tpu.yield
    }) : () -> ()
    %barrier3A_119 = arith.constant 0 : index
    tpu.barrier barrier_id(%barrier3A_119)
    %mul3A_120 = arith.constant 16512 : i32
    %mul3A_121 = arith.muli %select_n3A, %mul3A_120 : i32
    %mul3A_122 = arith.constant 2048 : i32
    %mul3A_123 = arith.muli %select_n3A_28, %mul3A_122 : i32
    %add3A_124 = arith.addi %mul3A_121, %mul3A_123 : i32
    %mul3A_125 = arith.constant 16384 : i32
    %mul3A_126 = arith.muli %add3A_30, %mul3A_125 : i32
    %mul3A_127 = arith.constant 2048 : i32
    %mul3A_128 = arith.muli %select_n3A_28, %mul3A_127 : i32
    %add3A_129 = arith.addi %mul3A_126, %mul3A_128 : i32
    "tpu.region"() ({
      %run_scoped3A = tpu.sem_alloc : memref<!tpu.dma_semaphore, #tpu.memory_space<semaphore_mem>>
      %dma_start3A = tpu.memref_slice %arg4[%add3A_129] : memref<65536xf32, #tpu.memory_space<hbm>> -> memref<2048xf32, #tpu.memory_space<hbm>>
      %dma_start3A_130 = tpu.memref_slice %arg13[%add3A_124] : memref<33024xf32, #tpu.memory_space<vmem_shared>> -> memref<2048xf32, #tpu.memory_space<vmem_shared>>
      tpu.enqueue_dma source(%dma_start3A_130 : memref<2048xf32, #tpu.memory_space<vmem_shared>>) target(%dma_start3A : memref<2048xf32, #tpu.memory_space<hbm>>) target_semaphore(%run_scoped3A : memref<!tpu.dma_semaphore, #tpu.memory_space<semaphore_mem>>)
      %dma_wait3A = tpu.memref_slice %arg4[%add3A_129] : memref<65536xf32, #tpu.memory_space<hbm>> -> memref<2048xf32, #tpu.memory_space<hbm>>
      %dma_wait3A_131 = tpu.memref_slice %arg13[%add3A_124] : memref<33024xf32, #tpu.memory_space<vmem_shared>> -> memref<2048xf32, #tpu.memory_space<vmem_shared>>
      tpu.wait_dma2 semaphore(%run_scoped3A : memref<!tpu.dma_semaphore, #tpu.memory_space<semaphore_mem>>) src(%dma_wait3A_131 : memref<2048xf32, #tpu.memory_space<vmem_shared>>) dst(%dma_wait3A : memref<2048xf32, #tpu.memory_space<hbm>>)
      tpu.yield
    }) : () -> ()
    return
  }
}

module attributes {stable_mosaic.version = 14 : i64} {
  func.func @_pool_body(%arg0: i32, %arg1: i32, %arg2: memref<2048x128xf32, #tpu.memory_space<vmem>>, %arg3: memref<1x256x2048xf32, #tpu.memory_space<vmem>>, %arg4: memref<1x256x2048xf32, #tpu.memory_space<vmem>>, %arg5: memref<1x256x2048xf32, #tpu.memory_space<vmem>>, %arg6: memref<1x256x2048xf32, #tpu.memory_space<vmem>>, %arg7: memref<1x16x128xf32, #tpu.memory_space<vmem>>, %arg8: memref<1x16x128xf32, #tpu.memory_space<vmem>>, %arg9: memref<1x16x128xf32, #tpu.memory_space<vmem>>, %arg10: memref<1x16x128xf32, #tpu.memory_space<vmem>>) attributes {dimension_semantics = [#tpu.dimension_semantics<arbitrary>, #tpu.dimension_semantics<arbitrary>], iteration_bounds = array<i64: 4, 8>, scalar_prefetch = 0 : i64, scratch_operands = 0 : i64, tpu.core_type = #tpu.core_type<tc>, window_params = [{pipeline_mode = #tpu.pipeline_mode<synchronous>, transform_indices = @transform_0, window_bounds = array<i64: 2048, 128>}, {transform_indices = @transform_1, window_bounds = array<i64: 1, 256, 2048>}, {transform_indices = @transform_2, window_bounds = array<i64: 1, 256, 2048>}, {transform_indices = @transform_3, window_bounds = array<i64: 1, 256, 2048>}, {transform_indices = @transform_4, window_bounds = array<i64: 1, 256, 2048>}, {transform_indices = @transform_5, window_bounds = array<i64: 1, 16, 128>}, {transform_indices = @transform_6, window_bounds = array<i64: 1, 16, 128>}, {transform_indices = @transform_7, window_bounds = array<i64: 1, 16, 128>}, {transform_indices = @transform_8, window_bounds = array<i64: 1, 16, 128>}]} {
    %get3A = arith.constant 0 : index
    %get3A_0 = arith.constant 0 : index
    %get3A_1 = vector.load %arg2[%get3A, %get3A_0] : memref<2048x128xf32, #tpu.memory_space<vmem>>, vector<2048x128xf32>
    %get3A_2 = arith.constant 0 : index
    %get3A_3 = arith.constant 0 : index
    %get3A_4 = arith.constant 0 : index
    %get3A_5 = vector.load %arg3[%get3A_2, %get3A_3, %get3A_4] : memref<1x256x2048xf32, #tpu.memory_space<vmem>>, vector<1x256x2048xf32>
    %reshape3A = vector.shape_cast %get3A_5 : vector<1x256x2048xf32> to vector<16x16x2048xf32>
    %reduce_sum3A = arith.constant dense<0.000000e+00> : vector<16x2048xf32>
    %reduce_sum3A_6 = vector.multi_reduction <add>, %reshape3A, %reduce_sum3A [1] : vector<16x16x2048xf32> to vector<16x2048xf32>
    %dot_general3A = arith.constant dense<0.000000e+00> : vector<16x128xf32>
    %dot_general3A_7 = tpu.matmul %reduce_sum3A_6, %get3A_1, %dot_general3A {dimension_numbers = #tpu.dot_dimension_numbers<[1], [0], [0], [1], [0, 0, 1, 1], [], []>, transpose_lhs_hint = false} : vector<16x2048xf32>, vector<2048x128xf32>, vector<16x128xf32> -> vector<16x128xf32>
    %reshape3A_8 = vector.shape_cast %dot_general3A_7 : vector<16x128xf32> to vector<1x16x128xf32>
    %swap3A = arith.constant 0 : index
    %swap3A_9 = arith.constant 0 : index
    %swap3A_10 = arith.constant 0 : index
    %swap3A_11 = vector.load %arg7[%swap3A, %swap3A_9, %swap3A_10] : memref<1x16x128xf32, #tpu.memory_space<vmem>>, vector<1x16x128xf32>
    tpu.vector_store %arg7[%swap3A, %swap3A_9, %swap3A_10], %reshape3A_8 {strides = array<i32>} : memref<1x16x128xf32, #tpu.memory_space<vmem>>, vector<1x16x128xf32>,
    %get3A_12 = arith.constant 0 : index
    %get3A_13 = arith.constant 0 : index
    %get3A_14 = arith.constant 0 : index
    %get3A_15 = vector.load %arg4[%get3A_12, %get3A_13, %get3A_14] : memref<1x256x2048xf32, #tpu.memory_space<vmem>>, vector<1x256x2048xf32>
    %reshape3A_16 = vector.shape_cast %get3A_15 : vector<1x256x2048xf32> to vector<16x16x2048xf32>
    %reduce_sum3A_17 = arith.constant dense<0.000000e+00> : vector<16x2048xf32>
    %reduce_sum3A_18 = vector.multi_reduction <add>, %reshape3A_16, %reduce_sum3A_17 [1] : vector<16x16x2048xf32> to vector<16x2048xf32>
    %dot_general3A_19 = arith.constant dense<0.000000e+00> : vector<16x128xf32>
    %dot_general3A_20 = tpu.matmul %reduce_sum3A_18, %get3A_1, %dot_general3A_19 {dimension_numbers = #tpu.dot_dimension_numbers<[1], [0], [0], [1], [0, 0, 1, 1], [], []>, transpose_lhs_hint = false} : vector<16x2048xf32>, vector<2048x128xf32>, vector<16x128xf32> -> vector<16x128xf32>
    %reshape3A_21 = vector.shape_cast %dot_general3A_20 : vector<16x128xf32> to vector<1x16x128xf32>
    %swap3A_22 = arith.constant 0 : index
    %swap3A_23 = arith.constant 0 : index
    %swap3A_24 = arith.constant 0 : index
    %swap3A_25 = vector.load %arg8[%swap3A_22, %swap3A_23, %swap3A_24] : memref<1x16x128xf32, #tpu.memory_space<vmem>>, vector<1x16x128xf32>
    tpu.vector_store %arg8[%swap3A_22, %swap3A_23, %swap3A_24], %reshape3A_21 {strides = array<i32>} : memref<1x16x128xf32, #tpu.memory_space<vmem>>, vector<1x16x128xf32>,
    %get3A_26 = arith.constant 0 : index
    %get3A_27 = arith.constant 0 : index
    %get3A_28 = arith.constant 0 : index
    %get3A_29 = vector.load %arg5[%get3A_26, %get3A_27, %get3A_28] : memref<1x256x2048xf32, #tpu.memory_space<vmem>>, vector<1x256x2048xf32>
    %reshape3A_30 = vector.shape_cast %get3A_29 : vector<1x256x2048xf32> to vector<16x16x2048xf32>
    %reduce_sum3A_31 = arith.constant dense<0.000000e+00> : vector<16x2048xf32>
    %reduce_sum3A_32 = vector.multi_reduction <add>, %reshape3A_30, %reduce_sum3A_31 [1] : vector<16x16x2048xf32> to vector<16x2048xf32>
    %dot_general3A_33 = arith.constant dense<0.000000e+00> : vector<16x128xf32>
    %dot_general3A_34 = tpu.matmul %reduce_sum3A_32, %get3A_1, %dot_general3A_33 {dimension_numbers = #tpu.dot_dimension_numbers<[1], [0], [0], [1], [0, 0, 1, 1], [], []>, transpose_lhs_hint = false} : vector<16x2048xf32>, vector<2048x128xf32>, vector<16x128xf32> -> vector<16x128xf32>
    %reshape3A_35 = vector.shape_cast %dot_general3A_34 : vector<16x128xf32> to vector<1x16x128xf32>
    %swap3A_36 = arith.constant 0 : index
    %swap3A_37 = arith.constant 0 : index
    %swap3A_38 = arith.constant 0 : index
    %swap3A_39 = vector.load %arg9[%swap3A_36, %swap3A_37, %swap3A_38] : memref<1x16x128xf32, #tpu.memory_space<vmem>>, vector<1x16x128xf32>
    tpu.vector_store %arg9[%swap3A_36, %swap3A_37, %swap3A_38], %reshape3A_35 {strides = array<i32>} : memref<1x16x128xf32, #tpu.memory_space<vmem>>, vector<1x16x128xf32>,
    %get3A_40 = arith.constant 0 : index
    %get3A_41 = arith.constant 0 : index
    %get3A_42 = arith.constant 0 : index
    %get3A_43 = vector.load %arg6[%get3A_40, %get3A_41, %get3A_42] : memref<1x256x2048xf32, #tpu.memory_space<vmem>>, vector<1x256x2048xf32>
    %reshape3A_44 = vector.shape_cast %get3A_43 : vector<1x256x2048xf32> to vector<16x16x2048xf32>
    %reduce_sum3A_45 = arith.constant dense<0.000000e+00> : vector<16x2048xf32>
    %reduce_sum3A_46 = vector.multi_reduction <add>, %reshape3A_44, %reduce_sum3A_45 [1] : vector<16x16x2048xf32> to vector<16x2048xf32>
    %dot_general3A_47 = arith.constant dense<0.000000e+00> : vector<16x128xf32>
    %dot_general3A_48 = tpu.matmul %reduce_sum3A_46, %get3A_1, %dot_general3A_47 {dimension_numbers = #tpu.dot_dimension_numbers<[1], [0], [0], [1], [0, 0, 1, 1], [], []>, transpose_lhs_hint = false} : vector<16x2048xf32>, vector<2048x128xf32>, vector<16x128xf32> -> vector<16x128xf32>
    %reshape3A_49 = vector.shape_cast %dot_general3A_48 : vector<16x128xf32> to vector<1x16x128xf32>
    %swap3A_50 = arith.constant 0 : index
    %swap3A_51 = arith.constant 0 : index
    %swap3A_52 = arith.constant 0 : index
    %swap3A_53 = vector.load %arg10[%swap3A_50, %swap3A_51, %swap3A_52] : memref<1x16x128xf32, #tpu.memory_space<vmem>>, vector<1x16x128xf32>
    tpu.vector_store %arg10[%swap3A_50, %swap3A_51, %swap3A_52], %reshape3A_49 {strides = array<i32>} : memref<1x16x128xf32, #tpu.memory_space<vmem>>, vector<1x16x128xf32>,
    return
  }
  func.func @transform_0(%arg0: i32, %arg1: i32) -> (i32, i32) {
    %c0_i32 = arith.constant 0 : i32
    %c0_i32_0 = arith.constant 0 : i32
    %c0_i32_1 = arith.constant 0 : i32
    return %c0_i32, %c0_i32_0 : i32, i32
  }
  func.func @transform_1(%arg0: i32, %arg1: i32) -> (i32, i32, i32) {
    %c0_i32 = arith.constant 0 : i32
    %c0_i32_0 = arith.constant 0 : i32
    return %arg0, %arg1, %c0_i32 : i32, i32, i32
  }
  func.func @transform_2(%arg0: i32, %arg1: i32) -> (i32, i32, i32) {
    %c0_i32 = arith.constant 0 : i32
    %c0_i32_0 = arith.constant 0 : i32
    return %arg0, %arg1, %c0_i32 : i32, i32, i32
  }
  func.func @transform_3(%arg0: i32, %arg1: i32) -> (i32, i32, i32) {
    %c0_i32 = arith.constant 0 : i32
    %c0_i32_0 = arith.constant 0 : i32
    return %arg0, %arg1, %c0_i32 : i32, i32, i32
  }
  func.func @transform_4(%arg0: i32, %arg1: i32) -> (i32, i32, i32) {
    %c0_i32 = arith.constant 0 : i32
    %c0_i32_0 = arith.constant 0 : i32
    return %arg0, %arg1, %c0_i32 : i32, i32, i32
  }
  func.func @transform_5(%arg0: i32, %arg1: i32) -> (i32, i32, i32) {
    %c0_i32 = arith.constant 0 : i32
    %c0_i32_0 = arith.constant 0 : i32
    return %arg0, %arg1, %c0_i32 : i32, i32, i32
  }
  func.func @transform_6(%arg0: i32, %arg1: i32) -> (i32, i32, i32) {
    %c0_i32 = arith.constant 0 : i32
    %c0_i32_0 = arith.constant 0 : i32
    return %arg0, %arg1, %c0_i32 : i32, i32, i32
  }
  func.func @transform_7(%arg0: i32, %arg1: i32) -> (i32, i32, i32) {
    %c0_i32 = arith.constant 0 : i32
    %c0_i32_0 = arith.constant 0 : i32
    return %arg0, %arg1, %c0_i32 : i32, i32, i32
  }
  func.func @transform_8(%arg0: i32, %arg1: i32) -> (i32, i32, i32) {
    %c0_i32 = arith.constant 0 : i32
    %c0_i32_0 = arith.constant 0 : i32
    return %arg0, %arg1, %c0_i32 : i32, i32, i32
  }
}

module attributes {stable_mosaic.version = 14 : i64} {
  func.func @_loss_body(%arg0: memref<4x128x128xf32, #tpu.memory_space<vmem>>, %arg1: memref<4x128x128xf32, #tpu.memory_space<vmem>>, %arg2: memref<4x128x128xf32, #tpu.memory_space<vmem>>, %arg3: memref<4x128x128xf32, #tpu.memory_space<vmem>>, %arg4: memref<4x128x128xf32, #tpu.memory_space<vmem>>, %arg5: memref<1x1xf32, #tpu.memory_space<smem>>) attributes {dimension_semantics = [], scalar_prefetch = 0 : i64, scratch_operands = 0 : i64, tpu.core_type = #tpu.core_type<tc>} {
    %get3A = arith.constant 0 : index
    %get3A_0 = arith.constant 0 : index
    %get3A_1 = arith.constant 0 : index
    %get3A_2 = vector.load %arg4[%get3A, %get3A_0, %get3A_1] : memref<4x128x128xf32, #tpu.memory_space<vmem>>, vector<4x128x128xf32>
    %get3A_3 = arith.constant 0 : index
    %get3A_4 = arith.constant 0 : index
    %get3A_5 = arith.constant 0 : index
    %get3A_6 = vector.load %arg0[%get3A_3, %get3A_4, %get3A_5] : memref<4x128x128xf32, #tpu.memory_space<vmem>>, vector<4x128x128xf32>
    %sub3A = arith.subf %get3A_6, %get3A_2 : vector<4x128x128xf32>
    %abs3A = math.absf %sub3A : vector<4x128x128xf32>
    %get3A_7 = arith.constant 0 : index
    %get3A_8 = arith.constant 0 : index
    %get3A_9 = arith.constant 0 : index
    %get3A_10 = vector.load %arg1[%get3A_7, %get3A_8, %get3A_9] : memref<4x128x128xf32, #tpu.memory_space<vmem>>, vector<4x128x128xf32>
    %sub3A_11 = arith.subf %get3A_10, %get3A_2 : vector<4x128x128xf32>
    %abs3A_12 = math.absf %sub3A_11 : vector<4x128x128xf32>
    %lt3A = arith.cmpf olt, %abs3A, %abs3A_12 : vector<4x128x128xf32>
    %jit3A = arith.constant 1.000000e+00 : f32
    %jit3A_13 = arith.constant 0.000000e+00 : f32
    %broadcast_in_dim3A = vector.broadcast %jit3A : f32 to vector<4x128x128xf32>
    %broadcast_in_dim3A_14 = vector.broadcast %jit3A_13 : f32 to vector<4x128x128xf32>
    %select_n3A = arith.select %lt3A, %broadcast_in_dim3A, %broadcast_in_dim3A_14 : vector<4x128x128xi1>, vector<4x128x128xf32>
    %sub3A_15 = arith.subf %abs3A, %abs3A_12 : vector<4x128x128xf32>
    %abs3A_16 = math.absf %sub3A_15 : vector<4x128x128xf32>
    %lt3A_17 = arith.constant 5.000000e-01 : f32
    %lt3A_18 = vector.broadcast %lt3A_17 : f32 to vector<4x128x128xf32>
    %lt3A_19 = arith.cmpf olt, %abs3A_16, %lt3A_18 : vector<4x128x128xf32>
    %get3A_20 = arith.constant 0 : index
    %get3A_21 = arith.constant 0 : index
    %get3A_22 = arith.constant 0 : index
    %get3A_23 = vector.load %arg2[%get3A_20, %get3A_21, %get3A_22] : memref<4x128x128xf32, #tpu.memory_space<vmem>>, vector<4x128x128xf32>
    %mul3A = arith.constant 3.906250e-03 : f32
    %mul3A_24 = vector.broadcast %mul3A : f32 to vector<4x128x128xf32>
    %mul3A_25 = arith.mulf %get3A_23, %mul3A_24 : vector<4x128x128xf32>
    %get3A_26 = arith.constant 0 : index
    %get3A_27 = arith.constant 0 : index
    %get3A_28 = arith.constant 0 : index
    %get3A_29 = vector.load %arg3[%get3A_26, %get3A_27, %get3A_28] : memref<4x128x128xf32, #tpu.memory_space<vmem>>, vector<4x128x128xf32>
    %mul3A_30 = arith.constant 3.906250e-03 : f32
    %mul3A_31 = vector.broadcast %mul3A_30 : f32 to vector<4x128x128xf32>
    %mul3A_32 = arith.mulf %get3A_29, %mul3A_31 : vector<4x128x128xf32>
    %add3A = arith.addf %mul3A_25, %mul3A_32 : vector<4x128x128xf32>
    %add3A_33 = arith.constant 9.99999993E-9 : f32
    %add3A_34 = vector.broadcast %add3A_33 : f32 to vector<4x128x128xf32>
    %add3A_35 = arith.addf %add3A, %add3A_34 : vector<4x128x128xf32>
    %div3A = arith.divf %mul3A_25, %add3A_35 : vector<4x128x128xf32>
    %log3A = math.log %div3A : vector<4x128x128xf32>
    %jit3A_36 = arith.constant -1.000000e+02 : f32
    %max3A = vector.broadcast %jit3A_36 : f32 to vector<4x128x128xf32>
    %max3A_37 = arith.maximumf %max3A, %log3A : vector<4x128x128xf32>
    %sub3A_38 = arith.constant 1.000000e+00 : f32
    %sub3A_39 = vector.broadcast %sub3A_38 : f32 to vector<4x128x128xf32>
    %sub3A_40 = arith.subf %sub3A_39, %div3A : vector<4x128x128xf32>
    %log3A_41 = math.log %sub3A_40 : vector<4x128x128xf32>
    %jit3A_42 = arith.constant -1.000000e+02 : f32
    %max3A_43 = vector.broadcast %jit3A_42 : f32 to vector<4x128x128xf32>
    %max3A_44 = arith.maximumf %max3A_43, %log3A_41 : vector<4x128x128xf32>
    %mul3A_45 = arith.mulf %select_n3A, %max3A_37 : vector<4x128x128xf32>
    %sub3A_46 = arith.constant 1.000000e+00 : f32
    %sub3A_47 = vector.broadcast %sub3A_46 : f32 to vector<4x128x128xf32>
    %sub3A_48 = arith.subf %sub3A_47, %select_n3A : vector<4x128x128xf32>
    %mul3A_49 = arith.mulf %sub3A_48, %max3A_44 : vector<4x128x128xf32>
    %add3A_50 = arith.addf %mul3A_45, %mul3A_49 : vector<4x128x128xf32>
    %neg3A = arith.constant 0.000000e+00 : f32
    %neg3A_51 = vector.broadcast %neg3A : f32 to vector<4x128x128xf32>
    %neg3A_52 = arith.subf %neg3A_51, %add3A_50 : vector<4x128x128xf32>
    %jit3A_53 = arith.constant 0.000000e+00 : f32
    %broadcast_in_dim3A_54 = vector.broadcast %jit3A_53 : f32 to vector<4x128x128xf32>
    %select_n3A_55 = arith.select %lt3A_19, %broadcast_in_dim3A_54, %neg3A_52 : vector<4x128x128xi1>, vector<4x128x128xf32>
    %not3A = arith.constant dense<true> : vector<4x128x128xi1>
    %not3A_56 = arith.xori %lt3A_19, %not3A : vector<4x128x128xi1>
    %convert_element_type3A = arith.extui %not3A_56 : vector<4x128x128xi1> to vector<4x128x128xi32>
    %convert_element_type3A_57 = arith.sitofp %convert_element_type3A : vector<4x128x128xi32> to vector<4x128x128xf32>
    %reduce_sum3A = vector.shape_cast %convert_element_type3A_57 : vector<4x128x128xf32> to vector<1x4x128x128xf32>
    %reduce_sum3A_58 = arith.constant dense<0.000000e+00> : vector<1xf32>
    %reduce_sum3A_59 = vector.multi_reduction <add>, %reduce_sum3A, %reduce_sum3A_58 [1, 2, 3] : vector<1x4x128x128xf32> to vector<1xf32>
    %reduce_sum3A_60 = vector.shape_cast %reduce_sum3A_59 : vector<1xf32> to vector<1x1x1x1xf32>
    %reduce_sum3A_61 = vector.extract %reduce_sum3A_60[0, 0, 0, 0] : f32 from vector<1x1x1x1xf32>
    %reduce_sum3A_62 = vector.shape_cast %select_n3A_55 : vector<4x128x128xf32> to vector<1x4x128x128xf32>
    %reduce_sum3A_63 = arith.constant dense<0.000000e+00> : vector<1xf32>
    %reduce_sum3A_64 = vector.multi_reduction <add>, %reduce_sum3A_62, %reduce_sum3A_63 [1, 2, 3] : vector<1x4x128x128xf32> to vector<1xf32>
    %reduce_sum3A_65 = vector.shape_cast %reduce_sum3A_64 : vector<1xf32> to vector<1x1x1x1xf32>
    %reduce_sum3A_66 = vector.extract %reduce_sum3A_65[0, 0, 0, 0] : f32 from vector<1x1x1x1xf32>
    %eq3A = arith.constant 0.000000e+00 : f32
    %eq3A_67 = arith.cmpf oeq, %reduce_sum3A_61, %eq3A : f32
    %max3A_68 = arith.constant 1.000000e+00 : f32
    %max3A_69 = arith.maximumf %reduce_sum3A_61, %max3A_68 : f32
    %div3A_70 = arith.divf %reduce_sum3A_66, %max3A_69 : f32
    %jit3A_71 = arith.constant 0.000000e+00 : f32
    %select_n3A_72 = arith.select %eq3A_67, %jit3A_71, %div3A_70 : f32
    %swap3A = arith.constant 0 : index
    %swap3A_73 = arith.constant 0 : index
    %swap3A_74 = memref.load %arg5[%swap3A, %swap3A_73] : memref<1x1xf32, #tpu.memory_space<smem>>
    memref.store %select_n3A_72, %arg5[%swap3A, %swap3A_73] : memref<1x1xf32, #tpu.memory_space<smem>>
    return
  }
}

</mosaic_0001>

<sc_bundles>
// kernel: kernel.5.cloned.1.call-start
scs
__scs_entry_jumppad:
0x0: {  	(pc) =	sbr.rel $0x88, $3  }
0x1: {  	(tag) =	ssettag $0x0;
	lr =	simm.s32 $0x1  }
0x2: {  	[smem:$0x3F9C] =	sst lr;
	_ =	strace $0xD0000000  }
0x3: {  	_ = 	snop  }
0x4: {  	_ = 	snop  }
0x5: {  	_ = 	snop  }
0x6: {  	_ = 	snop  }
0x7: {  	_ = 	snop  }
__scs_overlays_trampoline_lowered:
0x8: {  	[smem:$0x3FAB] =	sst s0  }
0x9: {  	[smem:$0x3FAC] =	sst s1  }
0xa: {  	[smem:$0x3FAD] =	sst s2  }
0xb: {  	[smem:$0x3FAE] =	sst s3  }
0xc: {  	[smem:$0x3FAF] =	sst s4  }
0xd: {  	[smem:$0x3FB0] =	sst s5  }
0xe: {  	[smem:$0x3FB1] =	sst s6  }
0xf: {  	[smem:$0x3FB2] =	sst s7  }
0x10: {  	[smem:$0x3FB3] =	sst s8  }
0x11: {  	[smem:$0x3FB4] =	sst s9;
	s0 =	simm.s32 @!p0 $0x0  }
0x12: {  	s1 =	sld [smem:$0x3F9A];
	s0 =	simm.s32 @p0 $0x1  }
0x13: {  	[smem:$0x3FB5] =	sst s0;
	s0 =	simm.s32 @!p1 $0x0  }
0x14: {  	s2 =	sld [smem:$0x3F99];
	s0 =	simm.s32 @p1 $0x1  }
0x15: {  	[smem:$0x3FB6] =	sst s0;
	s0 =	simm.s32 @!p2 $0x0  }
0x16: {  	s3 =	sld [smem:$0x3FDB];
	s0 =	simm.s32 @p2 $0x1  }
0x17: {  	s4 =	simm.s32 $0x1BF5;
	[smem:$0x3FB8] =	sst s0  }
0x18: {  	s0 =	sld [smem:$0x3F9B];
	_ =	swait.ge [sflag:s4], $0x0  }
0x19: {  	s7 =	sld [smem:$0x3F9C]  }
0x1a: {  	s8 =	sadd.s32 $0xFFFFE003, lr  }
0x1b: {  	s9 =	sadd.s32 $0xFFFFFEF7, lr;
	s5 =	simm.s32 $0xFFFFFFFF;
	p2 =	slt.u32 s8, $0xFFFFF086  }
0x1c: {  	p1 =	slt.u32 s9, $0xF7A;
	s5 =	simm.s32 @!p2 $0x0  }
0x1d: {  	s5 =	simm.s32 @p1 $0x1;
	p0 =	seq.s32 s7, s2  }
0x1e: {  	s7 =	smul.u32 @!p0 $0xF7A, s2;
	p2 =	seq.s32 @!p0 s5, $0x0  }
0x1f: {  	s9 =	smul.u32 $0xF7A, s1;
	s8 =	simm.s32 @!p0 $0x1BF5;
	p2 =	por !p2, p0  }
0x20: {  	[sflag:s8] =	ssyncset.s32 @!p0 $0xFFFFF086;
	s6 =	sadd.s32 @!p0 s3, s7;
	s7 =	simm.s32 @!p0 $0x108  }
0x21: {  	s3 =	sadd.s32 s3, s9;
	s6 =	sadd.s32 @!p0 $0x88, s6;
	s7 =	simm.s32 @p2 $0x1082  }
0x22: {  	[simem:s7], [sflag:s8] =	dma.local @!p0 [hbm:s6], $0xF7A  }
0x23: {  	s9 =	sor.u32 $0xD0000000, s2;
	s6 =	simm.s32 $0x108;
	_ =	swait.ge @!p0 [sflag:s8], $0x0  }
0x24: {  	s3 =	sadd.s32 $0x88, s3;
	s6 =	simm.s32 @!p1 $0x1082;
	[sflag:s4] =	ssyncset.s32 $0xFFFFF086  }
0x25: {  	[simem:s6], [sflag:s4] =	dma.local [hbm:s3], $0xF7A  }
0x26: {  	[smem:$0x3F9C] =	sst s1;
	(tag) =	ssettag s2;
	_ =	strace s9  }
0x27: {  	s1 =	sld [smem:$0x3FAC]  }
0x28: {  	s2 =	sld [smem:$0x3FAD]  }
0x29: {  	s4 =	sld [smem:$0x3FAF]  }
0x2a: {  	p0 =	seq.s32 s5, $0x0;
	s5 =	sld [smem:$0x3FB0]  }
0x2b: {  	s6 =	sld [smem:$0x3FB1]  }
0x2c: {  	s7 =	sld [smem:$0x3FB2]  }
0x2d: {  	s3 =	simm.s32 $0x108;
	s8 =	sld [smem:$0x3FB3]  }
0x2e: {  	s3 =	simm.s32 @!p0 $0x1082;
	s9 =	sld [smem:$0x3FB4]  }
0x2f: {  	lr =	sadd.s32 s0, s3;
	s0 =	sld [smem:$0x3FAB]  }
0x30: {  	s3 =	sld [smem:$0x3FAE]  }
0x31: {  	[smem:$0x3FB7] =	sst s10  }
0x32: {  	s10 =	sld [smem:$0x3FB5];
	_ =	sdelay $0x3  }
0x33: {  	p0 =	seq.s32 s10, $0x1;
	s10 =	sld [smem:$0x3FB7];
	_ =	sdelay $0x3  }
0x34: {  	[smem:$0x3FB7] =	sst s10  }
0x35: {  	s10 =	sld [smem:$0x3FB6];
	_ =	sdelay $0x3  }
0x36: {  	p1 =	seq.s32 s10, $0x1;
	s10 =	sld [smem:$0x3FB7];
	_ =	sdelay $0x3  }
0x37: {  	[smem:$0x3FB7] =	sst s10  }
0x38: {  	s10 =	sld [smem:$0x3FB8]  }
0x39: {  	_ = 	snop;
	(pc) =	sbr.ind lr, $3  }
0x3a: {  	_ = 	snop  }
0x3b: {  	_ = 	snop  }
0x3c: {  	p2 =	seq.s32 s10, $0x1;
	s10 =	sld [smem:$0x3FB7]  }
0x3d: {  	_ =	shalt  }
0x3e: {  	_ =	shalt  }
0x3f: {  	_ =	shalt  }
0x40: {  	_ =	shalt  }
0x41: {  	_ =	shalt  }
0x42: {  	_ =	shalt  }
0x43: {  	_ =	shalt  }
0x44: {  	_ =	shalt  }
0x45: {  	_ =	shalt  }
0x46: {  	_ =	shalt  }
0x47: {  	_ =	shalt  }
0x48: {  	_ =	shalt  }
0x49: {  	_ =	shalt  }
0x4a: {  	_ =	shalt  }
0x4b: {  	_ =	shalt  }
0x4c: {  	_ =	shalt  }
0x4d: {  	_ =	shalt  }
0x4e: {  	_ =	shalt  }
0x4f: {  	_ =	shalt  }
0x50: {  	_ =	shalt  }
0x51: {  	_ =	shalt  }
0x52: {  	_ =	shalt  }
0x53: {  	_ =	shalt  }
0x54: {  	_ =	shalt  }
0x55: {  	_ =	shalt  }
0x56: {  	_ =	shalt  }
0x57: {  	_ =	shalt  }
0x58: {  	_ =	shalt  }
0x59: {  	_ =	shalt  }
0x5a: {  	_ =	shalt  }
0x5b: {  	_ =	shalt  }
0x5c: {  	_ =	shalt  }
0x5d: {  	_ =	shalt  }
0x5e: {  	_ =	shalt  }
0x5f: {  	_ =	shalt  }
0x60: {  	_ =	shalt  }
0x61: {  	_ =	shalt  }
0x62: {  	_ =	shalt  }
0x63: {  	_ =	shalt  }
0x64: {  	_ =	shalt  }
0x65: {  	_ =	shalt  }
0x66: {  	_ =	shalt  }
0x67: {  	_ =	shalt  }
0x68: {  	_ =	shalt  }
0x69: {  	_ =	shalt  }
0x6a: {  	_ =	shalt  }
0x6b: {  	_ =	shalt  }
0x6c: {  	_ =	shalt  }
0x6d: {  	_ =	shalt  }
0x6e: {  	_ =	shalt  }
0x6f: {  	_ =	shalt  }
0x70: {  	_ =	shalt  }
0x71: {  	_ =	shalt  }
0x72: {  	_ =	shalt  }
0x73: {  	_ =	shalt  }
0x74: {  	_ =	shalt  }
0x75: {  	_ =	shalt  }
0x76: {  	_ =	shalt  }
0x77: {  	_ =	shalt  }
0x78: {  	_ =	shalt  }
0x79: {  	_ =	shalt  }
0x7a: {  	_ =	shalt  }
0x7b: {  	_ =	shalt  }
0x7c: {  	_ =	shalt  }
0x7d: {  	_ =	shalt  }
0x7e: {  	_ =	shalt  }
0x7f: {  	_ =	shalt  }
0x80: {  	_ =	shalt  }
0x81: {  	_ =	shalt  }
0x82: {  	_ =	shalt  }
0x83: {  	_ =	shalt  }
0x84: {  	_ =	shalt  }
0x85: {  	_ =	shalt  }
0x86: {  	_ =	shalt  }
0x87: {  	_ =	shalt  }
.Lfunc_end0:
.L_simem_size_0:
called_computation_lowered:
.L_overlay_start_0:
0x88: {  	s2 =	sld [smem:$0x3FD9]  }
0x89: {  	s3 =	sld [smem:$0x3FFE];
	_ =	sdelay $0x1  }
0x8a: {  	s1 =	srdreg.scid  }
0x8b: {  	s0 =	sand.u32 $0x1, s1  }
0x8c: {  	s16 =	sshll.u32 s0, $0xA;
	s2 =	sadd.s32 s3, s2  }
0x8d: {  	s2 =	sadd.s32 s2, s16  }
0x8e: {  	[smem:$0x3FC3] =	sst s2  }
0x8f: {  	_ = 	snop  }
0x90: {  	(tm) =	ssettm $0x1  }
0x91: {  	s17 =	sld [smem:$0x3FFB];
	_ =	sdelay $0x3  }
0x92: {  	_ =	strace s17  }
0x93: {  	s2 =	sld [smem:$0x3FFC];
	_ =	sdelay $0x3  }
0x94: {  	_ =	strace s2  }
0x95: {  	s2 =	sld [smem:$0x3FFD];
	_ =	sdelay $0x3  }
0x96: {  	_ =	strace s2  }
0x97: {  	_ =	strace $0x8FFFFFFF  }
0x98: {  	s18 =	sld [smem:$0x3FDB];
	_ =	sdelay $0x1  }
0x99: {  	s19 =	simm.s32 $_scs_section_size  }
0x9a: {  	s4 =	simm.s32 $_size__tile_overlayer_lowered;
	s5 =	simm.s32 $_tile_overlayer_lowered  }
0x9b: {  	s22 =	simm.s32 $0x1BFF;
	s21 =	sshll.u32 s5, $0x1;
	s2 =	sadd.s32 s19, s18  }
0x9c: {  	s6 =	simm.s32 $0x0;
	s20 =	sshll.u32 s4, $0x1;
	s4 =	sadd.s32 s21, s2  }
0x9d: {  	[timem:s6], [sflag:s22] =	dma.local [hbm:s4], s20  }
0x9e: {  	_ =	swait.ge [sflag:s22], s20  }
0x9f: {  	s3 =	ssub.s32 $0x0, s20;
	[sflag:s22] =	ssyncset.done $0x0  }
0xa0: {  	[sflag:s22] =	ssyncadd.s32 s3;
	_ =	sdelay $0x1  }
0xa1: {  	s23 =	simm.s32 $0x1B8B  }
0xa2: {  	_ =	swait.ge [sflag:s23], $0x1  }
0xa3: {  	[sflag:s23] =	ssyncset.done $0x0  }
0xa4: {  	s25 =	simm.s32 $0x1B8E;
	s24 =	sld [smem:$0x3FFE];
	[sflag:s23] =	ssyncadd.s32 $0xFFFFFFFF  }
0xa5: {  	s26 =	simm.s32 $execute0_lowered;
	[smem:$0x3FD2] =	sst s25  }
0xa6: {  	s4 =	sshll.u32 s26, $0x1;
	_ =	strace $0x80000046;
	[dreg:$0x1] =	wrdreg $0xFFFFFFFF  }
0xa7: {  	s28 =	simm.s32 $_size_execute0_lowered;
	s2 =	sadd.s32 s2, s4;
	[dreg:$0x0] =	wrdreg $0x0  }
0xa8: {  	s4 =	sshll.u32 s28, $0x1;
	[dreg:$0x2] =	wrdreg s2  }
0xa9: {  	[dreg:$0x3] =	wrdreg s4  }
0xaa: {  	[dreg:$0x4] =	wrdreg $0xC0  }
0xab: {  	_ =	task [dreg:s6], $0x5FFFF  }
0xac: {  	[dreg:$0x1] =	wrdreg $0xFFFFFFFF  }
0xad: {  	[dreg:$0x0] =	wrdreg $0x60  }
0xae: {  	[dreg:$0x2] =	wrdreg s24  }
0xaf: {  	[dreg:$0x3] =	wrdreg $0xF000  }
0xb0: {  	[dreg:$0x4] =	wrdreg $0x9  }
0xb1: {  	_ =	task.clear_ibuf [dreg:s6], $0x5FFFF;
	_ =	strace $0x90000046  }
0xb2: {  	s29 =	simm.s32 $0x9;
	_ =	strace $0x80000048  }
0xb3: {  	_ =	swait.ge [sflag:s29], $0x1  }
0xb4: {  	[sflag:s29] =	ssyncadd.s32 $0xFFFFFFFF  }
0xb5: {  	_ =	strace $0x90000048  }
0xb6: {  	_ =	sfence  }
0xb7: {  	s30 =	sld [smem:$0x0];
	_ =	sdelay $0x2  }
0xb8: {  	s31 =	sshll.u32 s1, $0xD;
	s1 =	sshrl.u32 s1, $0x2  }
0xb9: {  	s3 =	sand.u32 $0x4000, s31;
	s1 =	sadd.s32 s1, s30  }
0xba: {  	s0 =	sor.u32 s3, s0;
	s1 =	sshll.u32 s1, $0x11  }
0xbb: {  	s0 =	sor.u32 s1, s0  }
0xbc: {  	s0 =	sadd.s32 $0x8F2B, s0  }
0xbd: {  	[sflag:s0] =	ssyncadd.remote.s32 $0x1  }
0xbe: {  	_ =	sfence.sel $0xFFFF  }
0xbf: {  	[dreg:$0x0] =	wrdreg $0xFFFFFFFF;
	(pc) =	sbr.abs _section_cstart, $3  }
0xc0: {  	[dreg:$0x1] =	wrdreg $0xFFFFFFFF  }
0xc1: {  	_ =	task.clear_ibuf [dreg:s6], $0x2FFFF;
	_ =	strace $0x9FFFFFFF  }
0xc2: {  	(tm) =	ssettm $0x7FFFFFFF  }
0xc3: {  	_ =	shalt  }
tec
execute0_lowered:
.L_overlay_start_1:
0x0: {  	(tag) =	ssettag $0x1  }
0x1: {  	s5 =	rddreg [dreg:$0x0]  }
0x2: {  	s2 =	rddreg [dreg:$0x1]  }
0x3: {  	s0 =	rddreg [dreg:$0x2];
	s4 =	srdreg.scid  }
0x4: {  	s3 =	simm.s32 $0x0;
	s1 =	stileid.u32;
	s13 =	simm.s32 $0x680  }
0x5: {  	s14 =	simm.s32 $0x1;
	s16 =	simm.s32 $0x80;
	s17 =	simm.s32 $0x400  }
0x6: {  	s20 =	simm.s32 $0x500;
	s21 =	simm.s32 $0x580;
	s23 =	simm.s32 $0x0  }
0x7: {  	s6 =	sand.u32 $0x1, s4;
	s7 =	sshrl.u32 s1, $0x3;
	s8 =	sand.u32 $0x7, s1  }
0x8: {  	v0 =	vimm.s32 $0x400F;
	vm0 =	vcmask $0x1310;
	s25 =	sshll.u32 s1, $0x2;
	[smem:$0x7FF] =	sst s3;
	s28 =	smul.u32 $0x2040, s1  }
0x9: {  	v0 =	vsel vm0, $0x4004, v0;
	vm0 =	vcmask $0x1714;
	s4 =	sshll.u32 s6, $0x1;
	s10 =	smul.u32 $0x1F4, s8;
	s12 =	sshll.u32 s8, $0xB  }
0xa: {  	_ =	strace $0x80000047;
	v0 =	vsel vm0, $0x4005, v0;
	vm0 =	vcmask $0x1B18;
	s29 =	ssub.s32 $0x2, s6;
	s18 =	smul.u32 $0x4080, s7  }
0xb: {  	s9 =	sor.u32 s7, s4;
	s4 =	sand.u32 $0x4, s25;
	v0 =	vsel vm0, $0x4006, v0;
	vm0 =	vcmask $0x1F1C;
	s6 =	sshrl.u32 s29, $0x1  }
0xc: {  	s11 =	smul.u32 $0xFA0, s9;
	s10 =	ssub.s32 s10, s4;
	s9 =	sshll.u32 s9, $0xE;
	v0 =	vsel vm0, $0x4007, v0;
	vm0 =	vcmask $0x2320  }
0xd: {  	s30 =	ssub.s32 s29, s6;
	s15 =	sor.u32 $0x1F0, s4;
	s31 =	sadd.s32 s18, s2;
	v0 =	vsel vm0, $0x4008, v0;
	vm0 =	vcmask $0x2724  }
0xe: {  	s19 =	sor.u32 $0x1F3, s4;
	s9 =	sor.u32 s12, s9;
	s22 =	sadd.s32 s12, s31;
	v0 =	vsel vm0, $0x4009, v0;
	vm0 =	vcmask $0x2B28  }
0xf: {  	s12 =	sor.u32 $0x180, s4;
	s26 =	sadd.s32 s11, s10;
	s9 =	sshrl.u32 s9, $0x3;
	v0 =	vsel vm0, $0x400A, v0;
	vm0 =	vcmask $0x2F2C  }
0x10: {  	v4 =	vimm.f32 $0.0e+00;
	s10 =	sshrl.u32 s28, $0x2;
	s11 =	sor.u32 $0x100, s4;
	s8 =	sshrl.u32 s26, $0x3;
	v0 =	vsel vm0, $0x400B, v0;
	vm0 =	vcmask $0x3330  }
0x11: {  	v5 =	vimm.f32 $1.000000000e+00;
	s22 =	sshrl.u32 s22, $0x3;
	s9 =	sadd.s32 s9, s5;
	s8 =	sadd.s32 s8, s5;
	v1 =	vsel vm0, $0x400C, v0;
	vm0 =	vcmask $0x3734  }
0x12: {  	s5 =	sadd.s32 s10, s2;
	s10 =	sor.u32 $0x80, s4;
	s6 =	sadd.s32 $0xA00, s8;
	v0 =	vlaneseq.u32;
	v1 =	vsel vm0, $0x400D, v1;
	vm0 =	vcmask $0x3B38  }
0x13: {  	s7 =	sadd.s32 $0x200, s8;
	s8 =	sadd.s32 $0x1200, s9;
	s9 =	smax.u32 s30, $0x1;
	v2 =	vadd.s32 s15, v0;
	v3 =	vsel vm0, $0x400E, v1;
	v1 =	vmov s18  }
0x14: {  	s15 =	simm.s32 $0x200;
	v2 =	vmin.u32 v2, s19;
	s19 =	simm.s32 $0x480;
	vm0 =	vmmov $0xf;
	v3 =	vadd.s32 s18, v3;
	s18 =	simm.s32 $0x600  }
.LBB2_1:
0x15: {  	s24 =	simm.s32 $0x40;
	s25 =	simm.s32 $0x0  }
.LBB2_2:
0x16: {  	p0 =	sne.s32 s24, $0x2000;
	[tilespmem:s25+$0x680] =	vst v4;
	s25 =	smov.u32 s24;
	s24 =	sadd.s32 $0x40, s24  }
.Ltmp0:
0x17: {  	(pc) =	sbr.rel @p0 .LBB2_2-.Ltmp0, $2  }
0x18: {  	_ =	sdelay $0x2  }
0x19: {  	s25 =	sshra.s32 s25, $0x2  }
0x1a: {  	[tilespmem:s25+$0x680] =	vst v4  }
0x1b: {  	[spmem:s5] =	stream.linear.scatter [tilespmem:s13], [sflag:$0x1], $0x810, $0x38;
	[tilespmem:$0x1710] =	vst v63  }
0x1c: {  	_ =	swait.ge [sflag:s14], $0x810  }
0x1d: {  	[sflag:s14] =	ssyncset.done $0x0  }
0x1e: {  	[sflag:s14] =	ssyncadd.s32 $0xFFFFF7F0  }
0x1f: {  	[tilespmem:$0x600] =	vst v5  }
0x20: {  	[tilespmem:$0x610] =	vst v5  }
0x21: {  	[tilespmem:$0x620] =	vst v5  }
0x22: {  	[tilespmem:$0x630] =	vst v5  }
0x23: {  	[tilespmem:$0x640] =	vst v5  }
0x24: {  	[tilespmem:$0x650] =	vst v5  }
0x25: {  	[tilespmem:$0x660] =	vst v5  }
0x26: {  	s24 =	simm.s32 $0x0;
	[tilespmem:$0x670] =	vst v5  }
0x27: {  	[tilespmem:s24], [sflag:$0x1] =	stream.linear.gather [hbm4b:s6+s24], $0x1F8, $0x38;
	[tilespmem:$0x1710] =	vst v63  }
0x28: {  	_ =	swait.ge [sflag:s14], $0x1F8  }
0x29: {  	[sflag:s14] =	ssyncset.done $0x0  }
0x2a: {  	v6 =	vadd.s32 s4, v0;
	[sflag:s14] =	ssyncadd.s32 $0xFFFFFE08  }
0x2b: {  	[tilespmem:s15], [sflag:$0x1] =	stream.linear.gather [hbm4b:s7+s24], $0x1F8, $0x38;
	[tilespmem:$0x1710] =	vst v63  }
0x2c: {  	_ =	swait.ge [sflag:s14], $0x1F8  }
0x2d: {  	[sflag:s14] =	ssyncset.done $0x0  }
0x2e: {  	[sflag:s14] =	ssyncadd.s32 $0xFFFFFE08  }
0x2f: {  	v7 =	vld.idx.msk [tilespmem:v6+s15+$0x0], $0xffff  }
0x30: {  	v8 =	vld.idx.msk [tilespmem:v6+s24+$0x0], $0xffff;
	_ =	sdelay $0x2  }
0x31: {  	s28 =	sadd.s32 $0x10, s4  }
0x32: {  	s25 =	simm.s32 $0x40;
	v6 =	vadd.s32 s28, v0  }
0x33: {  	s30 =	simm.s32 $0x80;
	s29 =	simm.s32 $0x0;
	s26 =	simm.s32 $0x40;
	v7 =	vshll.u32 v7, $0x1;
	v8 =	vshra.s32 v8, $0x6  }
.LBB2_4:
0x34: {  	p0 =	sne.s32 s30, $0x1C0;
	v7 =	vand.u32 $0xFFFFFF80, v7;
	v8 =	vadd.s32 v1, v8  }
0x35: {  	s31 =	sshra.s32 s29, $0x2;
	s29 =	smov.u32 s26;
	s26 =	smov.u32 s30;
	v7 =	vadd.s32 v7, v8  }
0x36: {  	[tilespmem:s31+$0x400] =	vst v7  }
0x37: {  	v7 =	vld.idx.msk [tilespmem:v6+s15+$0x0], $0xffff  }
0x38: {  	v8 =	vld.idx.msk [tilespmem:v6+s24+$0x0], $0xffff;
	_ =	sdelay $0x1  }
.Ltmp1:
0x39: {  	(pc) =	sbr.rel @p0 .LBB2_4-.Ltmp1, $4  }
0x3a: {  	_ = 	snop  }
0x3b: {  	s28 =	sadd.s32 $0x10, s28  }
0x3c: {  	v6 =	vadd.s32 s28, v0  }
0x3d: {  	s30 =	sadd.s32 $0x40, s30;
	v7 =	vshll.u32 v7, $0x1;
	v8 =	vshra.s32 v8, $0x6  }
0x3e: {  	_ = 	snop  }
0x3f: {  	v7 =	vand.u32 $0xFFFFFF80, v7;
	v8 =	vadd.s32 v1, v8  }
0x40: {  	s28 =	sshra.s32 s29, $0x2;
	v7 =	vadd.s32 v7, v8  }
0x41: {  	[tilespmem:s28+$0x400] =	vst v7  }
0x42: {  	v7 =	vld.idx.msk [tilespmem:v6+s15+$0x0], $0xffff  }
0x43: {  	v6 =	vld.idx.msk [tilespmem:v6+s24+$0x0], $0xffff;
	_ =	sdelay $0x3  }
0x44: {  	v8 =	vadd.s32 s10, v0  }
0x45: {  	v7 =	vshll.u32 v7, $0x1;
	v6 =	vshra.s32 v6, $0x6  }
0x46: {  	v7 =	vand.u32 $0xFFFFFF80, v7;
	v6 =	vadd.s32 v1, v6  }
0x47: {  	s26 =	sshra.s32 s26, $0x2;
	v6 =	vadd.s32 v7, v6  }
0x48: {  	[tilespmem:s26+$0x400] =	vst v6  }
0x49: {  	s26 =	simm.s32 $0x0;
	v7 =	vld.idx.msk [tilespmem:v8+s15+$0x0], $0xffff  }
0x4a: {  	v8 =	vld.idx.msk [tilespmem:v8+s26+$0x0], $0xffff;
	_ =	sdelay $0x2  }
0x4b: {  	s28 =	sadd.s32 $0x10, s10  }
0x4c: {  	v6 =	vadd.s32 s28, v0  }
0x4d: {  	s29 =	simm.s32 $0x80;
	v7 =	vshll.u32 v7, $0x1;
	v8 =	vshra.s32 v8, $0x6  }
.LBB2_6:
0x4e: {  	p0 =	sne.s32 s29, $0x1C0;
	v7 =	vand.u32 $0xFFFFFF80, v7;
	v8 =	vadd.s32 v1, v8  }
0x4f: {  	s30 =	sshra.s32 s24, $0x2;
	s24 =	smov.u32 s25;
	s25 =	smov.u32 s29;
	v7 =	vadd.s32 v7, v8  }
0x50: {  	[tilespmem:s30+$0x480] =	vst v7  }
0x51: {  	v7 =	vld.idx.msk [tilespmem:v6+s15+$0x0], $0xffff  }
0x52: {  	v8 =	vld.idx.msk [tilespmem:v6+s26+$0x0], $0xffff;
	_ =	sdelay $0x1  }
.Ltmp2:
0x53: {  	(pc) =	sbr.rel @p0 .LBB2_6-.Ltmp2, $4  }
0x54: {  	_ = 	snop  }
0x55: {  	s28 =	sadd.s32 $0x10, s28  }
0x56: {  	v6 =	vadd.s32 s28, v0  }
0x57: {  	s29 =	sadd.s32 $0x40, s29;
	v7 =	vshll.u32 v7, $0x1;
	v8 =	vshra.s32 v8, $0x6  }
0x58: {  	_ = 	snop  }
0x59: {  	v7 =	vand.u32 $0xFFFFFF80, v7;
	v8 =	vadd.s32 v1, v8  }
0x5a: {  	s24 =	sshra.s32 s24, $0x2;
	v7 =	vadd.s32 v7, v8  }
0x5b: {  	[tilespmem:s24+$0x480] =	vst v7  }
0x5c: {  	s24 =	simm.s32 $0x0;
	v7 =	vld.idx.msk [tilespmem:v6+s15+$0x0], $0xffff  }
0x5d: {  	v6 =	vld.idx.msk [tilespmem:v6+s24+$0x0], $0xffff;
	_ =	sdelay $0x2  }
0x5e: {  	p1 =	por $0x1, $0x1  }
.Ltmp3:
0x5f: {  	_ = 	snop;
	(pc) =	sbr.rel @!p1 .LBB2_8-.Ltmp3, $4  }
0x60: {  	v7 =	vshll.u32 v7, $0x1;
	v6 =	vshra.s32 v6, $0x6  }
0x61: {  	v7 =	vand.u32 $0xFFFFFF80, v7;
	v6 =	vadd.s32 v1, v6  }
0x62: {  	s25 =	sshra.s32 s25, $0x2;
	v6 =	vadd.s32 v7, v6  }
0x63: {  	p0 =	por $0x0, $0x0;
	[tilespmem:s25+$0x480] =	vst v6;
	v6 =	vadd.s32 s11, v0;
	s25 =	simm.s32 $0x40  }
0x64: {  	_ =	sdelay $0x3  }
0x65: {  	v7 =	vld.idx.msk [tilespmem:v6+s15+$0x0], $0xffff  }
0x66: {  	v8 =	vld.idx.msk [tilespmem:v6+s24+$0x0], $0xffff;
	p2 =	por $0x1, $0x1  }
.Ltmp4:
0x67: {  	_ = 	snop;
	(pc) =	sbr.rel @!p2 .LBB2_10-.Ltmp4, $4  }
0x68: {  	_ = 	snop  }
0x69: {  	s29 =	sadd.s32 $0x10, s11  }
0x6a: {  	s30 =	simm.s32 $0x80;
	v6 =	vadd.s32 s29, v0  }
0x6b: {  	p1 =	por $0x1, $0x1;
	s28 =	simm.s32 $0x0;
	s26 =	simm.s32 $0x40;
	v7 =	vshll.u32 v7, $0x1;
	v8 =	vshra.s32 v8, $0x6  }
.LBB2_11:
0x6c: {  	p2 =	sne.s32 s30, $0x1C0;
	v7 =	vand.u32 $0xFFFFFF80, v7;
	v8 =	vadd.s32 v1, v8  }
0x6d: {  	s31 =	sshra.s32 s28, $0x2;
	s28 =	smov.u32 s26;
	s26 =	smov.u32 s30;
	v7 =	vadd.s32 v7, v8  }
0x6e: {  	[tilespmem:s31+$0x500] =	vst v7  }
0x6f: {  	v7 =	vld.idx.msk [tilespmem:v6+s15+$0x0], $0xffff  }
0x70: {  	v8 =	vld.idx.msk [tilespmem:v6+s24+$0x0], $0xffff;
	_ =	sdelay $0x1  }
.Ltmp5:
0x71: {  	(pc) =	sbr.rel @p2 .LBB2_11-.Ltmp5, $4  }
0x72: {  	_ = 	snop  }
0x73: {  	s29 =	sadd.s32 $0x10, s29  }
0x74: {  	v6 =	vadd.s32 s29, v0  }
0x75: {  	s30 =	sadd.s32 $0x40, s30;
	v7 =	vshll.u32 v7, $0x1;
	v8 =	vshra.s32 v8, $0x6  }
.LBB2_12:
0x76: {  	_ = 	snop  }
0x77: {  	v7 =	vand.u32 @p1 $0xFFFFFF80, v7;
	v8 =	vadd.s32 @p1 v1, v8  }
0x78: {  	s28 =	sshra.s32 @p1 s28, $0x2;
	v7 =	vadd.s32 @p1 v7, v8  }
0x79: {  	[tilespmem:s28+$0x500] =	vst @p1 v7  }
0x7a: {  	v7 =	vld.idx.msk [tilespmem:v6+s15+$0x0], $0xffff  }
0x7b: {  	v6 =	vld.idx.msk [tilespmem:v6+s24+$0x0], $0xffff;
	_ =	sdelay $0x2  }
0x7c: {  	p1 =	por $0x1, $0x1  }
.Ltmp6:
0x7d: {  	_ = 	snop;
	(pc) =	sbr.rel @!p1 .LBB2_13-.Ltmp6, $4  }
0x7e: {  	v7 =	vshll.u32 v7, $0x1;
	v6 =	vshra.s32 v6, $0x6  }
0x7f: {  	v7 =	vand.u32 $0xFFFFFF80, v7;
	v6 =	vadd.s32 v1, v6  }
0x80: {  	s26 =	sshra.s32 s26, $0x2;
	v6 =	vadd.s32 v7, v6  }
0x81: {  	[tilespmem:s26+$0x500] =	vst v6;
	v6 =	vadd.s32 s12, v0  }
0x82: {  	_ =	sdelay $0x3  }
0x83: {  	v7 =	vld.idx.msk [tilespmem:v6+s15+$0x0], $0xffff  }
0x84: {  	v8 =	vld.idx.msk [tilespmem:v6+s3+$0x0], $0xffff;
	p1 =	por $0x1, $0x1  }
.Ltmp7:
0x85: {  	_ = 	snop;
	(pc) =	sbr.rel @!p1 .LBB2_15-.Ltmp7, $4  }
0x86: {  	_ = 	snop  }
0x87: {  	s26 =	sadd.s32 $0x10, s12  }
0x88: {  	v6 =	vadd.s32 s26, v0  }
0x89: {  	s28 =	simm.s32 $0x80;
	p0 =	por $0x1, $0x1;
	v7 =	vshll.u32 v7, $0x1;
	v8 =	vshra.s32 v8, $0x6  }
.LBB2_16:
0x8a: {  	p1 =	sne.s32 s28, $0x180;
	v7 =	vand.u32 $0xFFFFFF80, v7;
	v8 =	vadd.s32 v1, v8  }
0x8b: {  	s29 =	sshra.s32 s24, $0x2;
	s24 =	smov.u32 s25;
	s25 =	smov.u32 s28;
	v7 =	vadd.s32 v7, v8  }
0x8c: {  	[tilespmem:s29+$0x580] =	vst v7  }
0x8d: {  	v7 =	vld.idx.msk [tilespmem:v6+s15+$0x0], $0xffff  }
0x8e: {  	v8 =	vld.idx.msk [tilespmem:v6+s3+$0x0], $0xffff;
	_ =	sdelay $0x1  }
.Ltmp8:
0x8f: {  	(pc) =	sbr.rel @p1 .LBB2_16-.Ltmp8, $4  }
0x90: {  	_ = 	snop  }
0x91: {  	s26 =	sadd.s32 $0x10, s26  }
0x92: {  	v6 =	vadd.s32 s26, v0  }
0x93: {  	s28 =	sadd.s32 $0x40, s28;
	v7 =	vshll.u32 v7, $0x1;
	v8 =	vshra.s32 v8, $0x6  }
0x94: {  	s26 =	smov.u32 s24;
	s24 =	smov.u32 s25  }
.LBB2_18:
0x95: {  	_ = 	snop  }
0x96: {  	v7 =	vand.u32 @p0 $0xFFFFFF80, v7;
	v8 =	vadd.s32 @p0 v1, v8  }
0x97: {  	s25 =	sshra.s32 @p0 s26, $0x2;
	v7 =	vadd.s32 @p0 v7, v8  }
0x98: {  	[tilespmem:s25+$0x580] =	vst @p0 v7  }
0x99: {  	v7 =	vld.idx.msk [tilespmem:v6+s15+$0x0], $0xffff  }
0x9a: {  	v6 =	vld.idx.msk [tilespmem:v6+s3+$0x0], $0xffff;
	_ =	sdelay $0x4  }
0x9b: {  	v7 =	vshll.u32 v7, $0x1;
	v6 =	vshra.s32 v6, $0x6  }
0x9c: {  	v7 =	vand.u32 $0xFFFFFF80, v7;
	v6 =	vadd.s32 v1, v6  }
0x9d: {  	s24 =	sshra.s32 s24, $0x2;
	v6 =	vadd.s32 v7, v6  }
0x9e: {  	[tilespmem:s24+$0x580] =	vst v6  }
0x9f: {  	v6 =	vld.idx.msk [tilespmem:v2+s3+$0x0], $0xffff  }
0xa0: {  	v7 =	vld.idx.msk [tilespmem:v2+s15+$0x0], $0xffff;
	_ =	sdelay $0x4  }
0xa1: {  	v7 =	vshll.u32 v7, $0x1;
	v6 =	vshra.s32 v6, $0x6  }
0xa2: {  	v7 =	vand.u32 $0xFFFFFF80, v7;
	v6 =	vadd.s32 v1, v6  }
0xa3: {  	v6 =	vadd.s32 v7, v6  }
0xa4: {  	v6 =	vsel vm0, v6, v3  }
0xa5: {  	[tilespmem:$0x5F0] =	vst v6  }
0xa6: {  	[bflag:$0x0] =	sbarrier.arrive $0xFFFF  }
0xa7: {  	[spmem:s2] =	stream.indirect.scatter.add.f32 [tilespmem:s18], [sflag:$0x1], $0x1, s17, s16, $0xb8;
	[tilespmem:$0x1710] =	vst v63  }
0xa8: {  	_ =	swait.ge [sflag:s14], $0x80  }
0xa9: {  	[sflag:s14] =	ssyncset.done $0x0  }
0xaa: {  	[sflag:s14] =	ssyncadd.s32 $0xFFFFFF80  }
0xab: {  	[spmem:s2] =	stream.indirect.scatter.add.f32 [tilespmem:s18], [sflag:$0x1], $0x1, s19, s16, $0xb8;
	[tilespmem:$0x1710] =	vst v63  }
0xac: {  	_ =	swait.ge [sflag:s14], $0x80  }
0xad: {  	[sflag:s14] =	ssyncset.done $0x0  }
0xae: {  	[sflag:s14] =	ssyncadd.s32 $0xFFFFFF80  }
0xaf: {  	[spmem:s2] =	stream.indirect.scatter.add.f32 [tilespmem:s18], [sflag:$0x1], $0x1, s20, s16, $0xb8;
	[tilespmem:$0x1710] =	vst v63  }
0xb0: {  	_ =	swait.ge [sflag:s14], $0x80  }
0xb1: {  	[sflag:s14] =	ssyncset.done $0x0  }
0xb2: {  	[sflag:s14] =	ssyncadd.s32 $0xFFFFFF80  }
0xb3: {  	[spmem:s2] =	stream.indirect.scatter.add.f32 [tilespmem:s18], [sflag:$0x1], $0x1, s21, s16, $0xb8;
	[tilespmem:$0x1710] =	vst v63  }
0xb4: {  	_ =	swait.ge [sflag:s14], $0x80  }
0xb5: {  	[sflag:s14] =	ssyncset.done $0x0  }
0xb6: {  	s31 =	sshll.u32 s1, $0x6;
	s23 =	sadd.s32 $0x1, s23;
	[sflag:s14] =	ssyncadd.s32 $0xFFFFFF80  }
0xb7: {  	p0 =	sne.s32 s23, s9;
	s24 =	sor.u32 $0x1C01, s31;
	[bflag:$0x0] =	sbarrier.arrive $0xFFFF  }
0xb8: {  	[hbm:s8], [sflag:s24] =	dma.local [spmem:s22], $0x100  }
.Ltmp9:
0xb9: {  	_ = 	snop;
	(pc) =	sbr.rel @p0 .LBB2_1-.Ltmp9, $4  }
.Ltmp10:
0xba: {  	_ = 	snop;
	(pc) =	sbr.rel @!p0 .LBB2_19-.Ltmp10, $4  }
0xbb: {  	_ =	swait.ge [sflag:s14], $0x100  }
0xbc: {  	[sflag:s14] =	ssyncset.done $0x0  }
0xbd: {  	[sflag:s14] =	ssyncadd.s32 $0xFFFFFF00  }
0xbe: {  	_ = 	snop  }
.LBB2_8:
.Ltmp11:
0xbf: {  	(pc) =	sbr.rel .LBB2_12-.Ltmp11, $2  }
0xc0: {  	_ =	sdelay $0x2  }
0xc1: {  	s26 =	simm.s32 $0x0;
	p1 =	por $0x0, $0x0  }
.LBB2_13:
.Ltmp12:
0xc2: {  	(pc) =	sbr.rel .LBB2_18-.Ltmp12, $2  }
0xc3: {  	_ =	sdelay $0x2  }
0xc4: {  	_ = 	snop  }
.LBB2_10:
.Ltmp13:
0xc5: {  	(pc) =	sbr.rel .LBB2_12-.Ltmp13, $2  }
0xc6: {  	_ =	sdelay $0x2  }
0xc7: {  	s28 =	simm.s32 $0x0;
	s26 =	simm.s32 $0x40  }
.LBB2_15:
.Ltmp14:
0xc8: {  	(pc) =	sbr.rel .LBB2_18-.Ltmp14, $2  }
0xc9: {  	_ =	sdelay $0x2  }
0xca: {  	s26 =	simm.s32 $0x0;
	s24 =	simm.s32 $0x40  }
.LBB2_19:
0xcb: {  	_ =	sfence.sel $0x180000  }
0xcc: {  	[bflag:$0x0] =	sbarrier.arrive $0xFFFF  }
0xcd: {  	p0 =	sne.s32 s1, $0x0;
	_ =	strace $0x90000047  }
0xce: {  	s0 =	sadd.s32 @!p0 $0x100000, s0;
	[bflag:$0x2] =	sbarrier.arrive $0xFFFF  }
0xcf: {  	[sflag:s0] =	ssyncadd.tile.s32 @!p0 $0x1;
	_ =	shalt  }
.Lfunc_end2:
_tile_overlayer_lowered:
.L_overlay_start_2:
0xd0: {  	(tag) =	ssettag $0x2  }
0xd1: {  	s0 =	rddreg [dreg:$0x0];
	s2 =	stileid.u32  }
0xd2: {  	s1 =	rddreg [dreg:$0x1];
	p0 =	sne.s32 s2, $0x0  }
0xd3: {  	s3 =	rddreg [dreg:$0x2];
	[bflag:$0x3] =	sbarrier.arrive $0xFFFF;
	s2 =	simm.s32 @!p0 $0x1C01  }
0xd4: {  	[timem:s3], [sflag:s2] =	dma.local @!p0 [hbm:s0], s1  }
0xd5: {  	s0 =	simm.s32 @!p0 $0x1  }
0xd6: {  	_ =	swait.ge @!p0 [sflag:s0], s1  }
0xd7: {  	s1 =	ssub.s32 @!p0 $0x0, s1;
	[sflag:s0] =	ssyncset.done @!p0 $0x0  }
0xd8: {  	[sflag:s0] =	ssyncadd.s32 @!p0 s1  }
0xd9: {  	[bflag:$0x3] =	sbarrier.arrive $0xFFFF  }
0xda: {  	_ =	shalt  }

</sc_bundles>
